<compile_context>
chip_gen: v7x
topology: tpu7x:2x2x1
jax: 0.10.2.dev20260603
libtpu: 0.0.44.dev20260713+nightly
codegen_flags: <defaults>
</compile_context>

<pallas_src>
import jax
import jax.numpy as jnp
from jax import lax
from jax.experimental import pallas as pl
from jax.experimental.pallas import tpu as pltpu
from jax.experimental.pallas import tpu_sc as plsc

_INPUT_DIM = 1000000
_NUM_FIELDS = 26
_BATCH = 16384
_NC = 2
_NS = 16
_NW = _NC * _NS
_BPW = _BATCH // _NW
_LANES = 16
_CHUNK = _BPW * _NUM_FIELDS
_WSLICE = 62496
_WTAIL = _INPUT_DIM - _NS * _WSLICE
_Q = _WSLICE // 4


def _sc_body(idx_hbm, w_hbm, bias_hbm, out_hbm, idx_v, vals_v, out_v, b_s,
             w_sp, stg0, stg1, sem_i, sem_g, sem_s0, sem_s1, sem_p):
    cid = lax.axis_index("c")
    sid = lax.axis_index("s")
    wid = sid * _NC + cid
    base = sid * _WSLICE

    h0 = pltpu.async_copy(w_hbm.at[pl.ds(base + 0 * _Q, _Q)], stg0, sem_s0)
    h1 = pltpu.async_copy(w_hbm.at[pl.ds(base + 1 * _Q, _Q)], stg1, sem_s1)
    cpi = pltpu.async_copy(idx_hbm.at[wid], idx_v, sem_i)
    pltpu.sync_copy(bias_hbm, b_s)
    h0.wait()
    p0 = pltpu.async_copy(stg0, w_sp.at[pl.ds(base + 0 * _Q, _Q)], sem_p)
    h1.wait()
    p1 = pltpu.async_copy(stg1, w_sp.at[pl.ds(base + 1 * _Q, _Q)], sem_p)
    p0.wait()
    h2 = pltpu.async_copy(w_hbm.at[pl.ds(base + 2 * _Q, _Q)], stg0, sem_s0)
    p1.wait()
    h3 = pltpu.async_copy(w_hbm.at[pl.ds(base + 3 * _Q, _Q)], stg1, sem_s1)
    h2.wait()
    p2 = pltpu.async_copy(stg0, w_sp.at[pl.ds(base + 2 * _Q, _Q)], sem_p)
    h3.wait()
    p3 = pltpu.async_copy(stg1, w_sp.at[pl.ds(base + 3 * _Q, _Q)], sem_p)
    p2.wait()
    p3.wait()

    @pl.when(sid == 0)
    def _():
        pltpu.sync_copy(w_hbm.at[pl.ds(_NS * _WSLICE, _WTAIL)],
                        stg0.at[pl.ds(0, _WTAIL)])
        pltpu.sync_copy(stg0.at[pl.ds(0, _WTAIL)],
                        w_sp.at[pl.ds(_NS * _WSLICE, _WTAIL)])

    cpi.wait()
    plsc.subcore_barrier()

    fsplits = (0, 7, 13, 20, _NUM_FIELDS)
    gsems = (sem_g, sem_s0, sem_s1, sem_p)
    gs = []
    for k in range(4):
        lo, hi = fsplits[k] * _BPW, fsplits[k + 1] * _BPW
        gs.append(pltpu.async_copy(w_sp.at[idx_v.at[pl.ds(lo, hi - lo)]],
                                   vals_v.at[pl.ds(lo, hi - lo)], gsems[k]))

    zeros = jnp.zeros((_LANES,), jnp.int32)
    bias_vec = plsc.load_gather(b_s, [zeros])

    for k in range(4):
        gs[k].wait()
        f_lo, f_hi = fsplits[k], fsplits[k + 1]

        def jbody(j, carry, f_lo=f_lo, f_hi=f_hi, first=(k == 0)):
            jbase = j * _LANES
            acc = bias_vec if first else out_v[pl.ds(jbase, _LANES)]
            for f in range(f_lo, f_hi):
                acc = acc + vals_v[pl.ds(f * _BPW + jbase, _LANES)]
            out_v[pl.ds(jbase, _LANES)] = acc
            return carry

        lax.fori_loop(0, _BPW // _LANES, jbody, 0)

    pltpu.sync_copy(out_v, out_hbm.at[pl.ds(wid * _BPW, _BPW)])


@jax.jit
def _lr_logits(idx, w, b):
    mesh = plsc.VectorSubcoreMesh(core_axis_name="c", subcore_axis_name="s")
    ker = pl.kernel(
        _sc_body,
        out_type=jax.ShapeDtypeStruct((_BATCH,), jnp.float32),
        mesh=mesh,
        scratch_types=[
            pltpu.VMEM((_CHUNK,), jnp.int32),
            pltpu.VMEM((_CHUNK,), jnp.float32),
            pltpu.VMEM((_BPW,), jnp.float32),
            pltpu.VMEM((1,), jnp.float32),
            pltpu.VMEM_SHARED((_INPUT_DIM,), jnp.float32),
            pltpu.VMEM((_Q,), jnp.float32),
            pltpu.VMEM((_Q,), jnp.float32),
            pltpu.SemaphoreType.DMA,
            pltpu.SemaphoreType.DMA,
            pltpu.SemaphoreType.DMA,
            pltpu.SemaphoreType.DMA,
            pltpu.SemaphoreType.DMA,
        ],
        compiler_params=pltpu.CompilerParams(needs_layout_passes=False),
    )
    return ker(idx, w, b)


def kernel(inputs, w, b):
    idx = inputs.reshape(_NW, _BPW, _NUM_FIELDS).transpose(0, 2, 1).reshape(_NW, _CHUNK)
    out = _lr_logits(idx, w, b.astype(jnp.float32))
    return out.reshape(_BATCH, 1)

# --- scband reference (transcript-rebuilt; emitter-appended) ---
"""Pipeline reference for scband-lr-58987080843276 (READ-ONLY COPY).

The authoritative reference and input builder live on the scoring server;
editing this copy changes nothing except your own understanding.
"""

import jax, jax.numpy as jnp
import numpy as np
import math

INPUT_DIM = 1000000
NUM_FIELDS = 26
BATCH = 16384

def setup_inputs(seed: int = 0) -> dict:
    key = jax.random.key(seed)
    k1, k2 = jax.random.split(key, 2)
    inputs = jax.random.randint(k1, (BATCH, NUM_FIELDS), 0, INPUT_DIM, dtype=jnp.int32)
    # xavier fan_avg init for w of shape [input_dim] (treated as [input_dim, 1])
    maxval = math.sqrt(6.0 / (INPUT_DIM + 1))
    w = jax.random.uniform(k2, (INPUT_DIM,), minval=-maxval, maxval=maxval, dtype=jnp.float32)
    b = jnp.zeros((1,), dtype=jnp.float32)
    return {"inputs": inputs, "w": w, "b": b}

def reference(inputs, w, b):
    # LR model: embedding_lookup with weight_flag=True, vector_flag=False, bias_flag=True
    # xw = tf.gather(w, inputs)  -> [batch, num_fields]
    xw = jnp.take(w, inputs, axis=0)
    # logits = reduce_sum(xw, axis=1, keepdims=True) + b  -> [batch, output_dim=1]
    logits = jnp.sum(xw, axis=1, keepdims=True) + b
    return logits

if __name__ == "__main__":
    import jax
    _d = setup_inputs()
    print(jax.jit(kernel)(*tuple(_d.values())))

</pallas_src>

<mosaic_0001>
#map = affine_map<(d0, d1) -> (0, 0)>
#map1 = affine_map<(d0, d1) -> (0)>
module attributes {stable_mosaic.version = 14 : i64} {
  func.func @_sc_body(%arg0: i32, %arg1: i32, %arg2: memref<32x13312xi32, #tpu.memory_space<hbm>>, %arg3: memref<1000000xf32, #tpu.memory_space<hbm>>, %arg4: memref<1xf32, #tpu.memory_space<hbm>>, %arg5: memref<16384xf32, #tpu.memory_space<hbm>>, %arg6: memref<13312xi32, #tpu.memory_space<vmem>>, %arg7: memref<13312xf32, #tpu.memory_space<vmem>>, %arg8: memref<512xf32, #tpu.memory_space<vmem>>, %arg9: memref<1xf32, #tpu.memory_space<vmem>>, %arg10: memref<1000000xf32, #tpu.memory_space<vmem_shared>>, %arg11: memref<15624xf32, #tpu.memory_space<vmem>>, %arg12: memref<15624xf32, #tpu.memory_space<vmem>>, %arg13: memref<!tpu.dma_semaphore, #tpu.memory_space<semaphore_mem>>, %arg14: memref<!tpu.dma_semaphore, #tpu.memory_space<semaphore_mem>>, %arg15: memref<!tpu.dma_semaphore, #tpu.memory_space<semaphore_mem>>, %arg16: memref<!tpu.dma_semaphore, #tpu.memory_space<semaphore_mem>>, %arg17: memref<!tpu.dma_semaphore, #tpu.memory_space<semaphore_mem>>) attributes {dimension_semantics = [#tpu.dimension_semantics<core_parallel>, #tpu.dimension_semantics<subcore_parallel>], iteration_bounds = array<i64: 2, 16>, scalar_prefetch = 0 : i64, scratch_operands = 12 : i64, tpu.core_type = #tpu.core_type<sc_vector_subcore>, window_params = [{transform_indices = #map}, {transform_indices = #map1}, {transform_indices = #map1}, {transform_indices = #map1}]} {
    %mul3A = arith.constant 2 : i32
    %mul3A_0 = arith.muli %arg1, %mul3A : i32
    %add3A = arith.addi %mul3A_0, %arg0 : i32
    %mul3A_1 = arith.constant 62496 : i32
    %mul3A_2 = arith.muli %arg1, %mul3A_1 : i32
    %add3A_3 = arith.constant 0 : i32
    %add3A_4 = arith.addi %mul3A_2, %add3A_3 : i32
    %dma_start3A = tpu.memref_slice %arg3[%add3A_4] : memref<1000000xf32, #tpu.memory_space<hbm>> -> memref<15624xf32, #tpu.memory_space<hbm>>
    %dma_start3A_5 = tpu.memref_slice %arg3[%add3A_4] : memref<1000000xf32, #tpu.memory_space<hbm>> -> memref<15624xf32, #tpu.memory_space<hbm>>
    tpu.enqueue_dma source(%dma_start3A_5 : memref<15624xf32, #tpu.memory_space<hbm>>) target(%arg11 : memref<15624xf32, #tpu.memory_space<vmem>>) target_semaphore(%arg15 : memref<!tpu.dma_semaphore, #tpu.memory_space<semaphore_mem>>)
    %add3A_6 = arith.constant 15624 : i32
    %add3A_7 = arith.addi %mul3A_2, %add3A_6 : i32
    %dma_start3A_8 = tpu.memref_slice %arg3[%add3A_7] : memref<1000000xf32, #tpu.memory_space<hbm>> -> memref<15624xf32, #tpu.memory_space<hbm>>
    %dma_start3A_9 = tpu.memref_slice %arg3[%add3A_7] : memref<1000000xf32, #tpu.memory_space<hbm>> -> memref<15624xf32, #tpu.memory_space<hbm>>
    tpu.enqueue_dma source(%dma_start3A_9 : memref<15624xf32, #tpu.memory_space<hbm>>) target(%arg12 : memref<15624xf32, #tpu.memory_space<vmem>>) target_semaphore(%arg16 : memref<!tpu.dma_semaphore, #tpu.memory_space<semaphore_mem>>)
    %dma_start3A_10 = arith.constant 0 : i32
    %dma_start3A_11 = tpu.memref_slice %arg2[%add3A, %dma_start3A_10] : memref<32x13312xi32, #tpu.memory_space<hbm>> -> memref<1x13312xi32, #tpu.memory_space<hbm>>
    %dma_start3A_12 = tpu.memref_squeeze %dma_start3A_11 : memref<1x13312xi32, #tpu.memory_space<hbm>> -> memref<13312xi32, #tpu.memory_space<hbm>>
    %dma_start3A_13 = arith.constant 0 : i32
    %dma_start3A_14 = tpu.memref_slice %arg2[%add3A, %dma_start3A_13] : memref<32x13312xi32, #tpu.memory_space<hbm>> -> memref<1x13312xi32, #tpu.memory_space<hbm>>
    %dma_start3A_15 = tpu.memref_squeeze %dma_start3A_14 : memref<1x13312xi32, #tpu.memory_space<hbm>> -> memref<13312xi32, #tpu.memory_space<hbm>>
    tpu.enqueue_dma source(%dma_start3A_15 : memref<13312xi32, #tpu.memory_space<hbm>>) target(%arg6 : memref<13312xi32, #tpu.memory_space<vmem>>) target_semaphore(%arg13 : memref<!tpu.dma_semaphore, #tpu.memory_space<semaphore_mem>>)
    "tpu.region"() ({
      %run_scoped3A = tpu.sem_alloc : memref<!tpu.dma_semaphore, #tpu.memory_space<semaphore_mem>>
      tpu.enqueue_dma source(%arg4 : memref<1xf32, #tpu.memory_space<hbm>>) target(%arg9 : memref<1xf32, #tpu.memory_space<vmem>>) target_semaphore(%run_scoped3A : memref<!tpu.dma_semaphore, #tpu.memory_space<semaphore_mem>>)
      tpu.wait_dma2 semaphore(%run_scoped3A : memref<!tpu.dma_semaphore, #tpu.memory_space<semaphore_mem>>) src(%arg4 : memref<1xf32, #tpu.memory_space<hbm>>) dst(%arg9 : memref<1xf32, #tpu.memory_space<vmem>>)
      tpu.yield
    }) : () -> ()
    %dma_wait3A = tpu.memref_slice %arg3[%add3A_4] : memref<1000000xf32, #tpu.memory_space<hbm>> -> memref<15624xf32, #tpu.memory_space<hbm>>
    %dma_wait3A_16 = tpu.memref_slice %arg3[%add3A_4] : memref<1000000xf32, #tpu.memory_space<hbm>> -> memref<15624xf32, #tpu.memory_space<hbm>>
    tpu.wait_dma2 semaphore(%arg15 : memref<!tpu.dma_semaphore, #tpu.memory_space<semaphore_mem>>) src(%dma_wait3A_16 : memref<15624xf32, #tpu.memory_space<hbm>>) dst(%arg11 : memref<15624xf32, #tpu.memory_space<vmem>>)
    %add3A_17 = arith.constant 0 : i32
    %add3A_18 = arith.addi %mul3A_2, %add3A_17 : i32
    %dma_start3A_19 = tpu.memref_slice %arg10[%add3A_18] : memref<1000000xf32, #tpu.memory_space<vmem_shared>> -> memref<15624xf32, #tpu.memory_space<vmem_shared>>
    %dma_start3A_20 = tpu.memref_slice %arg10[%add3A_18] : memref<1000000xf32, #tpu.memory_space<vmem_shared>> -> memref<15624xf32, #tpu.memory_space<vmem_shared>>
    tpu.enqueue_dma source(%arg11 : memref<15624xf32, #tpu.memory_space<vmem>>) target(%dma_start3A_20 : memref<15624xf32, #tpu.memory_space<vmem_shared>>) target_semaphore(%arg17 : memref<!tpu.dma_semaphore, #tpu.memory_space<semaphore_mem>>)
    %dma_wait3A_21 = tpu.memref_slice %arg3[%add3A_7] : memref<1000000xf32, #tpu.memory_space<hbm>> -> memref<15624xf32, #tpu.memory_space<hbm>>
    %dma_wait3A_22 = tpu.memref_slice %arg3[%add3A_7] : memref<1000000xf32, #tpu.memory_space<hbm>> -> memref<15624xf32, #tpu.memory_space<hbm>>
    tpu.wait_dma2 semaphore(%arg16 : memref<!tpu.dma_semaphore, #tpu.memory_space<semaphore_mem>>) src(%dma_wait3A_22 : memref<15624xf32, #tpu.memory_space<hbm>>) dst(%arg12 : memref<15624xf32, #tpu.memory_space<vmem>>)
    %add3A_23 = arith.constant 15624 : i32
    %add3A_24 = arith.addi %mul3A_2, %add3A_23 : i32
    %dma_start3A_25 = tpu.memref_slice %arg10[%add3A_24] : memref<1000000xf32, #tpu.memory_space<vmem_shared>> -> memref<15624xf32, #tpu.memory_space<vmem_shared>>
    %dma_start3A_26 = tpu.memref_slice %arg10[%add3A_24] : memref<1000000xf32, #tpu.memory_space<vmem_shared>> -> memref<15624xf32, #tpu.memory_space<vmem_shared>>
    tpu.enqueue_dma source(%arg12 : memref<15624xf32, #tpu.memory_space<vmem>>) target(%dma_start3A_26 : memref<15624xf32, #tpu.memory_space<vmem_shared>>) target_semaphore(%arg17 : memref<!tpu.dma_semaphore, #tpu.memory_space<semaphore_mem>>)
    %dma_wait3A_27 = tpu.memref_slice %arg10[%add3A_18] : memref<1000000xf32, #tpu.memory_space<vmem_shared>> -> memref<15624xf32, #tpu.memory_space<vmem_shared>>
    %dma_wait3A_28 = tpu.memref_slice %arg10[%add3A_18] : memref<1000000xf32, #tpu.memory_space<vmem_shared>> -> memref<15624xf32, #tpu.memory_space<vmem_shared>>
    tpu.wait_dma2 semaphore(%arg17 : memref<!tpu.dma_semaphore, #tpu.memory_space<semaphore_mem>>) src(%arg11 : memref<15624xf32, #tpu.memory_space<vmem>>) dst(%dma_wait3A_28 : memref<15624xf32, #tpu.memory_space<vmem_shared>>)
    %add3A_29 = arith.constant 31248 : i32
    %add3A_30 = arith.addi %mul3A_2, %add3A_29 : i32
    %dma_start3A_31 = tpu.memref_slice %arg3[%add3A_30] : memref<1000000xf32, #tpu.memory_space<hbm>> -> memref<15624xf32, #tpu.memory_space<hbm>>
    %dma_start3A_32 = tpu.memref_slice %arg3[%add3A_30] : memref<1000000xf32, #tpu.memory_space<hbm>> -> memref<15624xf32, #tpu.memory_space<hbm>>
    tpu.enqueue_dma source(%dma_start3A_32 : memref<15624xf32, #tpu.memory_space<hbm>>) target(%arg11 : memref<15624xf32, #tpu.memory_space<vmem>>) target_semaphore(%arg15 : memref<!tpu.dma_semaphore, #tpu.memory_space<semaphore_mem>>)
    %dma_wait3A_33 = tpu.memref_slice %arg10[%add3A_24] : memref<1000000xf32, #tpu.memory_space<vmem_shared>> -> memref<15624xf32, #tpu.memory_space<vmem_shared>>
    %dma_wait3A_34 = tpu.memref_slice %arg10[%add3A_24] : memref<1000000xf32, #tpu.memory_space<vmem_shared>> -> memref<15624xf32, #tpu.memory_space<vmem_shared>>
    tpu.wait_dma2 semaphore(%arg17 : memref<!tpu.dma_semaphore, #tpu.memory_space<semaphore_mem>>) src(%arg12 : memref<15624xf32, #tpu.memory_space<vmem>>) dst(%dma_wait3A_34 : memref<15624xf32, #tpu.memory_space<vmem_shared>>)
    %add3A_35 = arith.constant 46872 : i32
    %add3A_36 = arith.addi %mul3A_2, %add3A_35 : i32
    %dma_start3A_37 = tpu.memref_slice %arg3[%add3A_36] : memref<1000000xf32, #tpu.memory_space<hbm>> -> memref<15624xf32, #tpu.memory_space<hbm>>
    %dma_start3A_38 = tpu.memref_slice %arg3[%add3A_36] : memref<1000000xf32, #tpu.memory_space<hbm>> -> memref<15624xf32, #tpu.memory_space<hbm>>
    tpu.enqueue_dma source(%dma_start3A_38 : memref<15624xf32, #tpu.memory_space<hbm>>) target(%arg12 : memref<15624xf32, #tpu.memory_space<vmem>>) target_semaphore(%arg16 : memref<!tpu.dma_semaphore, #tpu.memory_space<semaphore_mem>>)
    %dma_wait3A_39 = tpu.memref_slice %arg3[%add3A_30] : memref<1000000xf32, #tpu.memory_space<hbm>> -> memref<15624xf32, #tpu.memory_space<hbm>>
    %dma_wait3A_40 = tpu.memref_slice %arg3[%add3A_30] : memref<1000000xf32, #tpu.memory_space<hbm>> -> memref<15624xf32, #tpu.memory_space<hbm>>
    tpu.wait_dma2 semaphore(%arg15 : memref<!tpu.dma_semaphore, #tpu.memory_space<semaphore_mem>>) src(%dma_wait3A_40 : memref<15624xf32, #tpu.memory_space<hbm>>) dst(%arg11 : memref<15624xf32, #tpu.memory_space<vmem>>)
    %add3A_41 = arith.constant 31248 : i32
    %add3A_42 = arith.addi %mul3A_2, %add3A_41 : i32
    %dma_start3A_43 = tpu.memref_slice %arg10[%add3A_42] : memref<1000000xf32, #tpu.memory_space<vmem_shared>> -> memref<15624xf32, #tpu.memory_space<vmem_shared>>
    %dma_start3A_44 = tpu.memref_slice %arg10[%add3A_42] : memref<1000000xf32, #tpu.memory_space<vmem_shared>> -> memref<15624xf32, #tpu.memory_space<vmem_shared>>
    tpu.enqueue_dma source(%arg11 : memref<15624xf32, #tpu.memory_space<vmem>>) target(%dma_start3A_44 : memref<15624xf32, #tpu.memory_space<vmem_shared>>) target_semaphore(%arg17 : memref<!tpu.dma_semaphore, #tpu.memory_space<semaphore_mem>>)
    %dma_wait3A_45 = tpu.memref_slice %arg3[%add3A_36] : memref<1000000xf32, #tpu.memory_space<hbm>> -> memref<15624xf32, #tpu.memory_space<hbm>>
    %dma_wait3A_46 = tpu.memref_slice %arg3[%add3A_36] : memref<1000000xf32, #tpu.memory_space<hbm>> -> memref<15624xf32, #tpu.memory_space<hbm>>
    tpu.wait_dma2 semaphore(%arg16 : memref<!tpu.dma_semaphore, #tpu.memory_space<semaphore_mem>>) src(%dma_wait3A_46 : memref<15624xf32, #tpu.memory_space<hbm>>) dst(%arg12 : memref<15624xf32, #tpu.memory_space<vmem>>)
    %add3A_47 = arith.constant 46872 : i32
    %add3A_48 = arith.addi %mul3A_2, %add3A_47 : i32
    %dma_start3A_49 = tpu.memref_slice %arg10[%add3A_48] : memref<1000000xf32, #tpu.memory_space<vmem_shared>> -> memref<15624xf32, #tpu.memory_space<vmem_shared>>
    %dma_start3A_50 = tpu.memref_slice %arg10[%add3A_48] : memref<1000000xf32, #tpu.memory_space<vmem_shared>> -> memref<15624xf32, #tpu.memory_space<vmem_shared>>
    tpu.enqueue_dma source(%arg12 : memref<15624xf32, #tpu.memory_space<vmem>>) target(%dma_start3A_50 : memref<15624xf32, #tpu.memory_space<vmem_shared>>) target_semaphore(%arg17 : memref<!tpu.dma_semaphore, #tpu.memory_space<semaphore_mem>>)
    %dma_wait3A_51 = tpu.memref_slice %arg10[%add3A_42] : memref<1000000xf32, #tpu.memory_space<vmem_shared>> -> memref<15624xf32, #tpu.memory_space<vmem_shared>>
    %dma_wait3A_52 = tpu.memref_slice %arg10[%add3A_42] : memref<1000000xf32, #tpu.memory_space<vmem_shared>> -> memref<15624xf32, #tpu.memory_space<vmem_shared>>
    tpu.wait_dma2 semaphore(%arg17 : memref<!tpu.dma_semaphore, #tpu.memory_space<semaphore_mem>>) src(%arg11 : memref<15624xf32, #tpu.memory_space<vmem>>) dst(%dma_wait3A_52 : memref<15624xf32, #tpu.memory_space<vmem_shared>>)
    %dma_wait3A_53 = tpu.memref_slice %arg10[%add3A_48] : memref<1000000xf32, #tpu.memory_space<vmem_shared>> -> memref<15624xf32, #tpu.memory_space<vmem_shared>>
    %dma_wait3A_54 = tpu.memref_slice %arg10[%add3A_48] : memref<1000000xf32, #tpu.memory_space<vmem_shared>> -> memref<15624xf32, #tpu.memory_space<vmem_shared>>
    tpu.wait_dma2 semaphore(%arg17 : memref<!tpu.dma_semaphore, #tpu.memory_space<semaphore_mem>>) src(%arg12 : memref<15624xf32, #tpu.memory_space<vmem>>) dst(%dma_wait3A_54 : memref<15624xf32, #tpu.memory_space<vmem_shared>>)
    %eq3A = arith.constant 0 : i32
    %eq3A_55 = arith.cmpi eq, %arg1, %eq3A : i32
    %convert_element_type3A = arith.extui %eq3A_55 : i1 to i32
    %cond3A = arith.constant 0 : i32
    %cond3A_56 = arith.cmpi ne, %convert_element_type3A, %cond3A : i32
    scf.if %cond3A_56 {
      "tpu.region"() ({
        %run_scoped3A = tpu.sem_alloc : memref<!tpu.dma_semaphore, #tpu.memory_space<semaphore_mem>>
        %dma_start3A_137 = arith.constant 0 : i32
        %dma_start3A_138 = tpu.memref_slice %arg11[%dma_start3A_137] : memref<15624xf32, #tpu.memory_space<vmem>> -> memref<64xf32, #tpu.memory_space<vmem>>
        %dma_start3A_139 = arith.constant 999936 : i32
        %dma_start3A_140 = tpu.memref_slice %arg3[%dma_start3A_139] : memref<1000000xf32, #tpu.memory_space<hbm>> -> memref<64xf32, #tpu.memory_space<hbm>>
        %dma_start3A_141 = arith.constant 0 : i32
        %dma_start3A_142 = tpu.memref_slice %arg11[%dma_start3A_141] : memref<15624xf32, #tpu.memory_space<vmem>> -> memref<64xf32, #tpu.memory_space<vmem>>
        %dma_start3A_143 = arith.constant 999936 : i32
        %dma_start3A_144 = tpu.memref_slice %arg3[%dma_start3A_143] : memref<1000000xf32, #tpu.memory_space<hbm>> -> memref<64xf32, #tpu.memory_space<hbm>>
        tpu.enqueue_dma source(%dma_start3A_144 : memref<64xf32, #tpu.memory_space<hbm>>) target(%dma_start3A_142 : memref<64xf32, #tpu.memory_space<vmem>>) target_semaphore(%run_scoped3A : memref<!tpu.dma_semaphore, #tpu.memory_space<semaphore_mem>>)
        %dma_wait3A_145 = arith.constant 0 : i32
        %dma_wait3A_146 = tpu.memref_slice %arg11[%dma_wait3A_145] : memref<15624xf32, #tpu.memory_space<vmem>> -> memref<64xf32, #tpu.memory_space<vmem>>
        %dma_wait3A_147 = arith.constant 999936 : i32
        %dma_wait3A_148 = tpu.memref_slice %arg3[%dma_wait3A_147] : memref<1000000xf32, #tpu.memory_space<hbm>> -> memref<64xf32, #tpu.memory_space<hbm>>
        %dma_wait3A_149 = arith.constant 0 : i32
        %dma_wait3A_150 = tpu.memref_slice %arg11[%dma_wait3A_149] : memref<15624xf32, #tpu.memory_space<vmem>> -> memref<64xf32, #tpu.memory_space<vmem>>
        %dma_wait3A_151 = arith.constant 999936 : i32
        %dma_wait3A_152 = tpu.memref_slice %arg3[%dma_wait3A_151] : memref<1000000xf32, #tpu.memory_space<hbm>> -> memref<64xf32, #tpu.memory_space<hbm>>
        tpu.wait_dma2 semaphore(%run_scoped3A : memref<!tpu.dma_semaphore, #tpu.memory_space<semaphore_mem>>) src(%dma_wait3A_152 : memref<64xf32, #tpu.memory_space<hbm>>) dst(%dma_wait3A_150 : memref<64xf32, #tpu.memory_space<vmem>>)
        tpu.yield
      }) : () -> ()
      "tpu.region"() ({
        %run_scoped3A = tpu.sem_alloc : memref<!tpu.dma_semaphore, #tpu.memory_space<semaphore_mem>>
        %dma_start3A_137 = arith.constant 0 : i32
        %dma_start3A_138 = tpu.memref_slice %arg11[%dma_start3A_137] : memref<15624xf32, #tpu.memory_space<vmem>> -> memref<64xf32, #tpu.memory_space<vmem>>
        %dma_start3A_139 = arith.constant 999936 : i32
        %dma_start3A_140 = tpu.memref_slice %arg10[%dma_start3A_139] : memref<1000000xf32, #tpu.memory_space<vmem_shared>> -> memref<64xf32, #tpu.memory_space<vmem_shared>>
        %dma_start3A_141 = arith.constant 999936 : i32
        %dma_start3A_142 = tpu.memref_slice %arg10[%dma_start3A_141] : memref<1000000xf32, #tpu.memory_space<vmem_shared>> -> memref<64xf32, #tpu.memory_space<vmem_shared>>
        %dma_start3A_143 = arith.constant 0 : i32
        %dma_start3A_144 = tpu.memref_slice %arg11[%dma_start3A_143] : memref<15624xf32, #tpu.memory_space<vmem>> -> memref<64xf32, #tpu.memory_space<vmem>>
        tpu.enqueue_dma source(%dma_start3A_144 : memref<64xf32, #tpu.memory_space<vmem>>) target(%dma_start3A_142 : memref<64xf32, #tpu.memory_space<vmem_shared>>) target_semaphore(%run_scoped3A : memref<!tpu.dma_semaphore, #tpu.memory_space<semaphore_mem>>)
        %dma_wait3A_145 = arith.constant 0 : i32
        %dma_wait3A_146 = tpu.memref_slice %arg11[%dma_wait3A_145] : memref<15624xf32, #tpu.memory_space<vmem>> -> memref<64xf32, #tpu.memory_space<vmem>>
        %dma_wait3A_147 = arith.constant 999936 : i32
        %dma_wait3A_148 = tpu.memref_slice %arg10[%dma_wait3A_147] : memref<1000000xf32, #tpu.memory_space<vmem_shared>> -> memref<64xf32, #tpu.memory_space<vmem_shared>>
        %dma_wait3A_149 = arith.constant 999936 : i32
        %dma_wait3A_150 = tpu.memref_slice %arg10[%dma_wait3A_149] : memref<1000000xf32, #tpu.memory_space<vmem_shared>> -> memref<64xf32, #tpu.memory_space<vmem_shared>>
        %dma_wait3A_151 = arith.constant 0 : i32
        %dma_wait3A_152 = tpu.memref_slice %arg11[%dma_wait3A_151] : memref<15624xf32, #tpu.memory_space<vmem>> -> memref<64xf32, #tpu.memory_space<vmem>>
        tpu.wait_dma2 semaphore(%run_scoped3A : memref<!tpu.dma_semaphore, #tpu.memory_space<semaphore_mem>>) src(%dma_wait3A_152 : memref<64xf32, #tpu.memory_space<vmem>>) dst(%dma_wait3A_150 : memref<64xf32, #tpu.memory_space<vmem_shared>>)
        tpu.yield
      }) : () -> ()
    } else {
    }
    %dma_wait3A_57 = arith.constant 0 : i32
    %dma_wait3A_58 = tpu.memref_slice %arg2[%add3A, %dma_wait3A_57] : memref<32x13312xi32, #tpu.memory_space<hbm>> -> memref<1x13312xi32, #tpu.memory_space<hbm>>
    %dma_wait3A_59 = tpu.memref_squeeze %dma_wait3A_58 : memref<1x13312xi32, #tpu.memory_space<hbm>> -> memref<13312xi32, #tpu.memory_space<hbm>>
    %dma_wait3A_60 = arith.constant 0 : i32
    %dma_wait3A_61 = tpu.memref_slice %arg2[%add3A, %dma_wait3A_60] : memref<32x13312xi32, #tpu.memory_space<hbm>> -> memref<1x13312xi32, #tpu.memory_space<hbm>>
    %dma_wait3A_62 = tpu.memref_squeeze %dma_wait3A_61 : memref<1x13312xi32, #tpu.memory_space<hbm>> -> memref<13312xi32, #tpu.memory_space<hbm>>
    tpu.wait_dma2 semaphore(%arg13 : memref<!tpu.dma_semaphore, #tpu.memory_space<semaphore_mem>>) src(%dma_wait3A_62 : memref<13312xi32, #tpu.memory_space<hbm>>) dst(%arg6 : memref<13312xi32, #tpu.memory_space<vmem>>)
    %barrier3A = arith.constant 0 : index
    tpu.barrier barrier_id(%barrier3A)
    %dma_start3A_63 = arith.constant 0 : i32
    %dma_start3A_64 = tpu.memref_slice %arg7[%dma_start3A_63] : memref<13312xf32, #tpu.memory_space<vmem>> -> memref<3584xf32, #tpu.memory_space<vmem>>
    %dma_start3A_65 = arith.constant 0 : i32
    %dma_start3A_66 = tpu.memref_slice %arg6[%dma_start3A_65] : memref<13312xi32, #tpu.memory_space<vmem>> -> memref<3584xi32, #tpu.memory_space<vmem>>
    %dma_start3A_67 = arith.constant 0 : i32
    %dma_start3A_68 = tpu.memref_slice %arg10[%dma_start3A_67] : memref<1000000xf32, #tpu.memory_space<vmem_shared>> -> memref<1000000xf32, #tpu.memory_space<vmem_shared>>
    tpu.enqueue_indirect_dma source(%dma_start3A_68 : memref<1000000xf32, #tpu.memory_space<vmem_shared>>) target(%dma_start3A_64 : memref<3584xf32, #tpu.memory_space<vmem>>) offsets(%dma_start3A_66 : memref<3584xi32, #tpu.memory_space<vmem>>) semaphore(%arg14 : memref<!tpu.dma_semaphore, #tpu.memory_space<semaphore_mem>>)
    %dma_start3A_69 = arith.constant 3584 : i32
    %dma_start3A_70 = tpu.memref_slice %arg7[%dma_start3A_69] : memref<13312xf32, #tpu.memory_space<vmem>> -> memref<3072xf32, #tpu.memory_space<vmem>>
    %dma_start3A_71 = arith.constant 3584 : i32
    %dma_start3A_72 = tpu.memref_slice %arg6[%dma_start3A_71] : memref<13312xi32, #tpu.memory_space<vmem>> -> memref<3072xi32, #tpu.memory_space<vmem>>
    %dma_start3A_73 = arith.constant 0 : i32
    %dma_start3A_74 = tpu.memref_slice %arg10[%dma_start3A_73] : memref<1000000xf32, #tpu.memory_space<vmem_shared>> -> memref<1000000xf32, #tpu.memory_space<vmem_shared>>
    tpu.enqueue_indirect_dma source(%dma_start3A_74 : memref<1000000xf32, #tpu.memory_space<vmem_shared>>) target(%dma_start3A_70 : memref<3072xf32, #tpu.memory_space<vmem>>) offsets(%dma_start3A_72 : memref<3072xi32, #tpu.memory_space<vmem>>) semaphore(%arg15 : memref<!tpu.dma_semaphore, #tpu.memory_space<semaphore_mem>>)
    %dma_start3A_75 = arith.constant 6656 : i32
    %dma_start3A_76 = tpu.memref_slice %arg7[%dma_start3A_75] : memref<13312xf32, #tpu.memory_space<vmem>> -> memref<3584xf32, #tpu.memory_space<vmem>>
    %dma_start3A_77 = arith.constant 6656 : i32
    %dma_start3A_78 = tpu.memref_slice %arg6[%dma_start3A_77] : memref<13312xi32, #tpu.memory_space<vmem>> -> memref<3584xi32, #tpu.memory_space<vmem>>
    %dma_start3A_79 = arith.constant 0 : i32
    %dma_start3A_80 = tpu.memref_slice %arg10[%dma_start3A_79] : memref<1000000xf32, #tpu.memory_space<vmem_shared>> -> memref<1000000xf32, #tpu.memory_space<vmem_shared>>
    tpu.enqueue_indirect_dma source(%dma_start3A_80 : memref<1000000xf32, #tpu.memory_space<vmem_shared>>) target(%dma_start3A_76 : memref<3584xf32, #tpu.memory_space<vmem>>) offsets(%dma_start3A_78 : memref<3584xi32, #tpu.memory_space<vmem>>) semaphore(%arg16 : memref<!tpu.dma_semaphore, #tpu.memory_space<semaphore_mem>>)
    %dma_start3A_81 = arith.constant 10240 : i32
    %dma_start3A_82 = tpu.memref_slice %arg7[%dma_start3A_81] : memref<13312xf32, #tpu.memory_space<vmem>> -> memref<3072xf32, #tpu.memory_space<vmem>>
    %dma_start3A_83 = arith.constant 10240 : i32
    %dma_start3A_84 = tpu.memref_slice %arg6[%dma_start3A_83] : memref<13312xi32, #tpu.memory_space<vmem>> -> memref<3072xi32, #tpu.memory_space<vmem>>
    %dma_start3A_85 = arith.constant 0 : i32
    %dma_start3A_86 = tpu.memref_slice %arg10[%dma_start3A_85] : memref<1000000xf32, #tpu.memory_space<vmem_shared>> -> memref<1000000xf32, #tpu.memory_space<vmem_shared>>
    tpu.enqueue_indirect_dma source(%dma_start3A_86 : memref<1000000xf32, #tpu.memory_space<vmem_shared>>) target(%dma_start3A_82 : memref<3072xf32, #tpu.memory_space<vmem>>) offsets(%dma_start3A_84 : memref<3072xi32, #tpu.memory_space<vmem>>) semaphore(%arg17 : memref<!tpu.dma_semaphore, #tpu.memory_space<semaphore_mem>>)
    %broadcast_in_dim3A = arith.constant 0 : i32
    %broadcast_in_dim3A_87 = vector.broadcast %broadcast_in_dim3A : i32 to vector<16xi32>
    %gather3A = tpu.vector_load_idx %arg9[%broadcast_in_dim3A_87] : memref<1xf32, #tpu.memory_space<vmem>>[vector<16xi32>], vector<16xf32>,
    %dma_wait3A_88 = arith.constant 0 : i32
    %dma_wait3A_89 = tpu.memref_slice %arg7[%dma_wait3A_88] : memref<13312xf32, #tpu.memory_space<vmem>> -> memref<3584xf32, #tpu.memory_space<vmem>>
    %dma_wait3A_90 = arith.constant 0 : i32
    %dma_wait3A_91 = tpu.memref_slice %arg6[%dma_wait3A_90] : memref<13312xi32, #tpu.memory_space<vmem>> -> memref<3584xi32, #tpu.memory_space<vmem>>
    %dma_wait3A_92 = arith.constant 0 : i32
    %dma_wait3A_93 = tpu.memref_slice %arg10[%dma_wait3A_92] : memref<1000000xf32, #tpu.memory_space<vmem_shared>> -> memref<1000000xf32, #tpu.memory_space<vmem_shared>>
    tpu.wait_indirect_dma semaphore(%arg14 : memref<!tpu.dma_semaphore, #tpu.memory_space<semaphore_mem>>) src(%dma_wait3A_93 : memref<1000000xf32, #tpu.memory_space<vmem_shared>>) dst(%dma_wait3A_89 : memref<3584xf32, #tpu.memory_space<vmem>>)
    %scan3A = arith.constant 0 : i32
    %scan3A_94 = arith.constant 0 : i32
    %scan3A_95 = arith.constant 32 : i32
    %scan3A_96 = arith.addi %scan3A_94, %scan3A_95 : i32
    %scan3A_97 = arith.constant 1 : i32
    scf.for %scan3A_137 = %scan3A_94 to %scan3A_96 step %scan3A_97  : i32 {
      %mul3A_138 = arith.constant 16 : i32
      %mul3A_139 = arith.muli %scan3A_137, %mul3A_138 : i32
      %add3A_140 = arith.constant 0 : i32
      %add3A_141 = arith.addi %add3A_140, %mul3A_139 : i32
      %get3A = arith.index_cast %add3A_141 : i32 to index
      %get3A_142 = tpu.vector_load %arg7[%get3A] {strides = array<i32>} : memref<13312xf32, #tpu.memory_space<vmem>>, vector<16xf32>,
      %add3A_143 = arith.addf %gather3A, %get3A_142 : vector<16xf32>
      %add3A_144 = arith.constant 512 : i32
      %add3A_145 = arith.addi %add3A_144, %mul3A_139 : i32
      %get3A_146 = arith.index_cast %add3A_145 : i32 to index
      %get3A_147 = tpu.vector_load %arg7[%get3A_146] {strides = array<i32>} : memref<13312xf32, #tpu.memory_space<vmem>>, vector<16xf32>,
      %add3A_148 = arith.addf %add3A_143, %get3A_147 : vector<16xf32>
      %add3A_149 = arith.constant 1024 : i32
      %add3A_150 = arith.addi %add3A_149, %mul3A_139 : i32
      %get3A_151 = arith.index_cast %add3A_150 : i32 to index
      %get3A_152 = tpu.vector_load %arg7[%get3A_151] {strides = array<i32>} : memref<13312xf32, #tpu.memory_space<vmem>>, vector<16xf32>,
      %add3A_153 = arith.addf %add3A_148, %get3A_152 : vector<16xf32>
      %add3A_154 = arith.constant 1536 : i32
      %add3A_155 = arith.addi %add3A_154, %mul3A_139 : i32
      %get3A_156 = arith.index_cast %add3A_155 : i32 to index
      %get3A_157 = tpu.vector_load %arg7[%get3A_156] {strides = array<i32>} : memref<13312xf32, #tpu.memory_space<vmem>>, vector<16xf32>,
      %add3A_158 = arith.addf %add3A_153, %get3A_157 : vector<16xf32>
      %add3A_159 = arith.constant 2048 : i32
      %add3A_160 = arith.addi %add3A_159, %mul3A_139 : i32
      %get3A_161 = arith.index_cast %add3A_160 : i32 to index
      %get3A_162 = tpu.vector_load %arg7[%get3A_161] {strides = array<i32>} : memref<13312xf32, #tpu.memory_space<vmem>>, vector<16xf32>,
      %add3A_163 = arith.addf %add3A_158, %get3A_162 : vector<16xf32>
      %add3A_164 = arith.constant 2560 : i32
      %add3A_165 = arith.addi %add3A_164, %mul3A_139 : i32
      %get3A_166 = arith.index_cast %add3A_165 : i32 to index
      %get3A_167 = tpu.vector_load %arg7[%get3A_166] {strides = array<i32>} : memref<13312xf32, #tpu.memory_space<vmem>>, vector<16xf32>,
      %add3A_168 = arith.addf %add3A_163, %get3A_167 : vector<16xf32>
      %add3A_169 = arith.constant 3072 : i32
      %add3A_170 = arith.addi %add3A_169, %mul3A_139 : i32
      %get3A_171 = arith.index_cast %add3A_170 : i32 to index
      %get3A_172 = tpu.vector_load %arg7[%get3A_171] {strides = array<i32>} : memref<13312xf32, #tpu.memory_space<vmem>>, vector<16xf32>,
      %add3A_173 = arith.addf %add3A_168, %get3A_172 : vector<16xf32>
      %swap3A = arith.index_cast %mul3A_139 : i32 to index
      %swap3A_174 = tpu.vector_load %arg8[%swap3A] {strides = array<i32>} : memref<512xf32, #tpu.memory_space<vmem>>, vector<16xf32>,
      tpu.vector_store %arg8[%swap3A], %add3A_173 {strides = array<i32>} : memref<512xf32, #tpu.memory_space<vmem>>, vector<16xf32>,
    }
    %scan3A_98 = arith.constant 32 : i32
    %dma_wait3A_99 = arith.constant 3584 : i32
    %dma_wait3A_100 = tpu.memref_slice %arg7[%dma_wait3A_99] : memref<13312xf32, #tpu.memory_space<vmem>> -> memref<3072xf32, #tpu.memory_space<vmem>>
    %dma_wait3A_101 = arith.constant 3584 : i32
    %dma_wait3A_102 = tpu.memref_slice %arg6[%dma_wait3A_101] : memref<13312xi32, #tpu.memory_space<vmem>> -> memref<3072xi32, #tpu.memory_space<vmem>>
    %dma_wait3A_103 = arith.constant 0 : i32
    %dma_wait3A_104 = tpu.memref_slice %arg10[%dma_wait3A_103] : memref<1000000xf32, #tpu.memory_space<vmem_shared>> -> memref<1000000xf32, #tpu.memory_space<vmem_shared>>
    tpu.wait_indirect_dma semaphore(%arg15 : memref<!tpu.dma_semaphore, #tpu.memory_space<semaphore_mem>>) src(%dma_wait3A_104 : memref<1000000xf32, #tpu.memory_space<vmem_shared>>) dst(%dma_wait3A_100 : memref<3072xf32, #tpu.memory_space<vmem>>)
    %scan3A_105 = arith.constant 0 : i32
    %scan3A_106 = arith.constant 0 : i32
    %scan3A_107 = arith.constant 32 : i32
    %scan3A_108 = arith.addi %scan3A_106, %scan3A_107 : i32
    %scan3A_109 = arith.constant 1 : i32
    scf.for %scan3A_137 = %scan3A_106 to %scan3A_108 step %scan3A_109  : i32 {
      %mul3A_138 = arith.constant 16 : i32
      %mul3A_139 = arith.muli %scan3A_137, %mul3A_138 : i32
      %get3A = arith.index_cast %mul3A_139 : i32 to index
      %get3A_140 = tpu.vector_load %arg8[%get3A] {strides = array<i32>} : memref<512xf32, #tpu.memory_space<vmem>>, vector<16xf32>,
      %add3A_141 = arith.constant 3584 : i32
      %add3A_142 = arith.addi %add3A_141, %mul3A_139 : i32
      %get3A_143 = arith.index_cast %add3A_142 : i32 to index
      %get3A_144 = tpu.vector_load %arg7[%get3A_143] {strides = array<i32>} : memref<13312xf32, #tpu.memory_space<vmem>>, vector<16xf32>,
      %add3A_145 = arith.addf %get3A_140, %get3A_144 : vector<16xf32>
      %add3A_146 = arith.constant 4096 : i32
      %add3A_147 = arith.addi %add3A_146, %mul3A_139 : i32
      %get3A_148 = arith.index_cast %add3A_147 : i32 to index
      %get3A_149 = tpu.vector_load %arg7[%get3A_148] {strides = array<i32>} : memref<13312xf32, #tpu.memory_space<vmem>>, vector<16xf32>,
      %add3A_150 = arith.addf %add3A_145, %get3A_149 : vector<16xf32>
      %add3A_151 = arith.constant 4608 : i32
      %add3A_152 = arith.addi %add3A_151, %mul3A_139 : i32
      %get3A_153 = arith.index_cast %add3A_152 : i32 to index
      %get3A_154 = tpu.vector_load %arg7[%get3A_153] {strides = array<i32>} : memref<13312xf32, #tpu.memory_space<vmem>>, vector<16xf32>,
      %add3A_155 = arith.addf %add3A_150, %get3A_154 : vector<16xf32>
      %add3A_156 = arith.constant 5120 : i32
      %add3A_157 = arith.addi %add3A_156, %mul3A_139 : i32
      %get3A_158 = arith.index_cast %add3A_157 : i32 to index
      %get3A_159 = tpu.vector_load %arg7[%get3A_158] {strides = array<i32>} : memref<13312xf32, #tpu.memory_space<vmem>>, vector<16xf32>,
      %add3A_160 = arith.addf %add3A_155, %get3A_159 : vector<16xf32>
      %add3A_161 = arith.constant 5632 : i32
      %add3A_162 = arith.addi %add3A_161, %mul3A_139 : i32
      %get3A_163 = arith.index_cast %add3A_162 : i32 to index
      %get3A_164 = tpu.vector_load %arg7[%get3A_163] {strides = array<i32>} : memref<13312xf32, #tpu.memory_space<vmem>>, vector<16xf32>,
      %add3A_165 = arith.addf %add3A_160, %get3A_164 : vector<16xf32>
      %add3A_166 = arith.constant 6144 : i32
      %add3A_167 = arith.addi %add3A_166, %mul3A_139 : i32
      %get3A_168 = arith.index_cast %add3A_167 : i32 to index
      %get3A_169 = tpu.vector_load %arg7[%get3A_168] {strides = array<i32>} : memref<13312xf32, #tpu.memory_space<vmem>>, vector<16xf32>,
      %add3A_170 = arith.addf %add3A_165, %get3A_169 : vector<16xf32>
      %swap3A = arith.index_cast %mul3A_139 : i32 to index
      %swap3A_171 = tpu.vector_load %arg8[%swap3A] {strides = array<i32>} : memref<512xf32, #tpu.memory_space<vmem>>, vector<16xf32>,
      tpu.vector_store %arg8[%swap3A], %add3A_170 {strides = array<i32>} : memref<512xf32, #tpu.memory_space<vmem>>, vector<16xf32>,
    }
    %scan3A_110 = arith.constant 32 : i32
    %dma_wait3A_111 = arith.constant 6656 : i32
    %dma_wait3A_112 = tpu.memref_slice %arg7[%dma_wait3A_111] : memref<13312xf32, #tpu.memory_space<vmem>> -> memref<3584xf32, #tpu.memory_space<vmem>>
    %dma_wait3A_113 = arith.constant 6656 : i32
    %dma_wait3A_114 = tpu.memref_slice %arg6[%dma_wait3A_113] : memref<13312xi32, #tpu.memory_space<vmem>> -> memref<3584xi32, #tpu.memory_space<vmem>>
    %dma_wait3A_115 = arith.constant 0 : i32
    %dma_wait3A_116 = tpu.memref_slice %arg10[%dma_wait3A_115] : memref<1000000xf32, #tpu.memory_space<vmem_shared>> -> memref<1000000xf32, #tpu.memory_space<vmem_shared>>
    tpu.wait_indirect_dma semaphore(%arg16 : memref<!tpu.dma_semaphore, #tpu.memory_space<semaphore_mem>>) src(%dma_wait3A_116 : memref<1000000xf32, #tpu.memory_space<vmem_shared>>) dst(%dma_wait3A_112 : memref<3584xf32, #tpu.memory_space<vmem>>)
    %scan3A_117 = arith.constant 0 : i32
    %scan3A_118 = arith.constant 0 : i32
    %scan3A_119 = arith.constant 32 : i32
    %scan3A_120 = arith.addi %scan3A_118, %scan3A_119 : i32
    %scan3A_121 = arith.constant 1 : i32
    scf.for %scan3A_137 = %scan3A_118 to %scan3A_120 step %scan3A_121  : i32 {
      %mul3A_138 = arith.constant 16 : i32
      %mul3A_139 = arith.muli %scan3A_137, %mul3A_138 : i32
      %get3A = arith.index_cast %mul3A_139 : i32 to index
      %get3A_140 = tpu.vector_load %arg8[%get3A] {strides = array<i32>} : memref<512xf32, #tpu.memory_space<vmem>>, vector<16xf32>,
      %add3A_141 = arith.constant 6656 : i32
      %add3A_142 = arith.addi %add3A_141, %mul3A_139 : i32
      %get3A_143 = arith.index_cast %add3A_142 : i32 to index
      %get3A_144 = tpu.vector_load %arg7[%get3A_143] {strides = array<i32>} : memref<13312xf32, #tpu.memory_space<vmem>>, vector<16xf32>,
      %add3A_145 = arith.addf %get3A_140, %get3A_144 : vector<16xf32>
      %add3A_146 = arith.constant 7168 : i32
      %add3A_147 = arith.addi %add3A_146, %mul3A_139 : i32
      %get3A_148 = arith.index_cast %add3A_147 : i32 to index
      %get3A_149 = tpu.vector_load %arg7[%get3A_148] {strides = array<i32>} : memref<13312xf32, #tpu.memory_space<vmem>>, vector<16xf32>,
      %add3A_150 = arith.addf %add3A_145, %get3A_149 : vector<16xf32>
      %add3A_151 = arith.constant 7680 : i32
      %add3A_152 = arith.addi %add3A_151, %mul3A_139 : i32
      %get3A_153 = arith.index_cast %add3A_152 : i32 to index
      %get3A_154 = tpu.vector_load %arg7[%get3A_153] {strides = array<i32>} : memref<13312xf32, #tpu.memory_space<vmem>>, vector<16xf32>,
      %add3A_155 = arith.addf %add3A_150, %get3A_154 : vector<16xf32>
      %add3A_156 = arith.constant 8192 : i32
      %add3A_157 = arith.addi %add3A_156, %mul3A_139 : i32
      %get3A_158 = arith.index_cast %add3A_157 : i32 to index
      %get3A_159 = tpu.vector_load %arg7[%get3A_158] {strides = array<i32>} : memref<13312xf32, #tpu.memory_space<vmem>>, vector<16xf32>,
      %add3A_160 = arith.addf %add3A_155, %get3A_159 : vector<16xf32>
      %add3A_161 = arith.constant 8704 : i32
      %add3A_162 = arith.addi %add3A_161, %mul3A_139 : i32
      %get3A_163 = arith.index_cast %add3A_162 : i32 to index
      %get3A_164 = tpu.vector_load %arg7[%get3A_163] {strides = array<i32>} : memref<13312xf32, #tpu.memory_space<vmem>>, vector<16xf32>,
      %add3A_165 = arith.addf %add3A_160, %get3A_164 : vector<16xf32>
      %add3A_166 = arith.constant 9216 : i32
      %add3A_167 = arith.addi %add3A_166, %mul3A_139 : i32
      %get3A_168 = arith.index_cast %add3A_167 : i32 to index
      %get3A_169 = tpu.vector_load %arg7[%get3A_168] {strides = array<i32>} : memref<13312xf32, #tpu.memory_space<vmem>>, vector<16xf32>,
      %add3A_170 = arith.addf %add3A_165, %get3A_169 : vector<16xf32>
      %add3A_171 = arith.constant 9728 : i32
      %add3A_172 = arith.addi %add3A_171, %mul3A_139 : i32
      %get3A_173 = arith.index_cast %add3A_172 : i32 to index
      %get3A_174 = tpu.vector_load %arg7[%get3A_173] {strides = array<i32>} : memref<13312xf32, #tpu.memory_space<vmem>>, vector<16xf32>,
      %add3A_175 = arith.addf %add3A_170, %get3A_174 : vector<16xf32>
      %swap3A = arith.index_cast %mul3A_139 : i32 to index
      %swap3A_176 = tpu.vector_load %arg8[%swap3A] {strides = array<i32>} : memref<512xf32, #tpu.memory_space<vmem>>, vector<16xf32>,
      tpu.vector_store %arg8[%swap3A], %add3A_175 {strides = array<i32>} : memref<512xf32, #tpu.memory_space<vmem>>, vector<16xf32>,
    }
    %scan3A_122 = arith.constant 32 : i32
    %dma_wait3A_123 = arith.constant 10240 : i32
    %dma_wait3A_124 = tpu.memref_slice %arg7[%dma_wait3A_123] : memref<13312xf32, #tpu.memory_space<vmem>> -> memref<3072xf32, #tpu.memory_space<vmem>>
    %dma_wait3A_125 = arith.constant 10240 : i32
    %dma_wait3A_126 = tpu.memref_slice %arg6[%dma_wait3A_125] : memref<13312xi32, #tpu.memory_space<vmem>> -> memref<3072xi32, #tpu.memory_space<vmem>>
    %dma_wait3A_127 = arith.constant 0 : i32
    %dma_wait3A_128 = tpu.memref_slice %arg10[%dma_wait3A_127] : memref<1000000xf32, #tpu.memory_space<vmem_shared>> -> memref<1000000xf32, #tpu.memory_space<vmem_shared>>
    tpu.wait_indirect_dma semaphore(%arg17 : memref<!tpu.dma_semaphore, #tpu.memory_space<semaphore_mem>>) src(%dma_wait3A_128 : memref<1000000xf32, #tpu.memory_space<vmem_shared>>) dst(%dma_wait3A_124 : memref<3072xf32, #tpu.memory_space<vmem>>)
    %scan3A_129 = arith.constant 0 : i32
    %scan3A_130 = arith.constant 0 : i32
    %scan3A_131 = arith.constant 32 : i32
    %scan3A_132 = arith.addi %scan3A_130, %scan3A_131 : i32
    %scan3A_133 = arith.constant 1 : i32
    scf.for %scan3A_137 = %scan3A_130 to %scan3A_132 step %scan3A_133  : i32 {
      %mul3A_138 = arith.constant 16 : i32
      %mul3A_139 = arith.muli %scan3A_137, %mul3A_138 : i32
      %get3A = arith.index_cast %mul3A_139 : i32 to index
      %get3A_140 = tpu.vector_load %arg8[%get3A] {strides = array<i32>} : memref<512xf32, #tpu.memory_space<vmem>>, vector<16xf32>,
      %add3A_141 = arith.constant 10240 : i32
      %add3A_142 = arith.addi %add3A_141, %mul3A_139 : i32
      %get3A_143 = arith.index_cast %add3A_142 : i32 to index
      %get3A_144 = tpu.vector_load %arg7[%get3A_143] {strides = array<i32>} : memref<13312xf32, #tpu.memory_space<vmem>>, vector<16xf32>,
      %add3A_145 = arith.addf %get3A_140, %get3A_144 : vector<16xf32>
      %add3A_146 = arith.constant 10752 : i32
      %add3A_147 = arith.addi %add3A_146, %mul3A_139 : i32
      %get3A_148 = arith.index_cast %add3A_147 : i32 to index
      %get3A_149 = tpu.vector_load %arg7[%get3A_148] {strides = array<i32>} : memref<13312xf32, #tpu.memory_space<vmem>>, vector<16xf32>,
      %add3A_150 = arith.addf %add3A_145, %get3A_149 : vector<16xf32>
      %add3A_151 = arith.constant 11264 : i32
      %add3A_152 = arith.addi %add3A_151, %mul3A_139 : i32
      %get3A_153 = arith.index_cast %add3A_152 : i32 to index
      %get3A_154 = tpu.vector_load %arg7[%get3A_153] {strides = array<i32>} : memref<13312xf32, #tpu.memory_space<vmem>>, vector<16xf32>,
      %add3A_155 = arith.addf %add3A_150, %get3A_154 : vector<16xf32>
      %add3A_156 = arith.constant 11776 : i32
      %add3A_157 = arith.addi %add3A_156, %mul3A_139 : i32
      %get3A_158 = arith.index_cast %add3A_157 : i32 to index
      %get3A_159 = tpu.vector_load %arg7[%get3A_158] {strides = array<i32>} : memref<13312xf32, #tpu.memory_space<vmem>>, vector<16xf32>,
      %add3A_160 = arith.addf %add3A_155, %get3A_159 : vector<16xf32>
      %add3A_161 = arith.constant 12288 : i32
      %add3A_162 = arith.addi %add3A_161, %mul3A_139 : i32
      %get3A_163 = arith.index_cast %add3A_162 : i32 to index
      %get3A_164 = tpu.vector_load %arg7[%get3A_163] {strides = array<i32>} : memref<13312xf32, #tpu.memory_space<vmem>>, vector<16xf32>,
      %add3A_165 = arith.addf %add3A_160, %get3A_164 : vector<16xf32>
      %add3A_166 = arith.constant 12800 : i32
      %add3A_167 = arith.addi %add3A_166, %mul3A_139 : i32
      %get3A_168 = arith.index_cast %add3A_167 : i32 to index
      %get3A_169 = tpu.vector_load %arg7[%get3A_168] {strides = array<i32>} : memref<13312xf32, #tpu.memory_space<vmem>>, vector<16xf32>,
      %add3A_170 = arith.addf %add3A_165, %get3A_169 : vector<16xf32>
      %swap3A = arith.index_cast %mul3A_139 : i32 to index
      %swap3A_171 = tpu.vector_load %arg8[%swap3A] {strides = array<i32>} : memref<512xf32, #tpu.memory_space<vmem>>, vector<16xf32>,
      tpu.vector_store %arg8[%swap3A], %add3A_170 {strides = array<i32>} : memref<512xf32, #tpu.memory_space<vmem>>, vector<16xf32>,
    }
    %scan3A_134 = arith.constant 32 : i32
    %mul3A_135 = arith.constant 512 : i32
    %mul3A_136 = arith.muli %add3A, %mul3A_135 : i32
    "tpu.region"() ({
      %run_scoped3A = tpu.sem_alloc : memref<!tpu.dma_semaphore, #tpu.memory_space<semaphore_mem>>
      %dma_start3A_137 = tpu.memref_slice %arg5[%mul3A_136] : memref<16384xf32, #tpu.memory_space<hbm>> -> memref<512xf32, #tpu.memory_space<hbm>>
      %dma_start3A_138 = tpu.memref_slice %arg5[%mul3A_136] : memref<16384xf32, #tpu.memory_space<hbm>> -> memref<512xf32, #tpu.memory_space<hbm>>
      tpu.enqueue_dma source(%arg8 : memref<512xf32, #tpu.memory_space<vmem>>) target(%dma_start3A_138 : memref<512xf32, #tpu.memory_space<hbm>>) target_semaphore(%run_scoped3A : memref<!tpu.dma_semaphore, #tpu.memory_space<semaphore_mem>>)
      %dma_wait3A_139 = tpu.memref_slice %arg5[%mul3A_136] : memref<16384xf32, #tpu.memory_space<hbm>> -> memref<512xf32, #tpu.memory_space<hbm>>
      %dma_wait3A_140 = tpu.memref_slice %arg5[%mul3A_136] : memref<16384xf32, #tpu.memory_space<hbm>> -> memref<512xf32, #tpu.memory_space<hbm>>
      tpu.wait_dma2 semaphore(%run_scoped3A : memref<!tpu.dma_semaphore, #tpu.memory_space<semaphore_mem>>) src(%arg8 : memref<512xf32, #tpu.memory_space<vmem>>) dst(%dma_wait3A_140 : memref<512xf32, #tpu.memory_space<hbm>>)
      tpu.yield
    }) : () -> ()
    return
  }
}

</mosaic_0001>

<sc_bundles>
// kernel: _lr_logits.3.cloned.1.call-start
scs
__scs_entry_jumppad:
0x0: {  	(pc) =	sbr.rel $0x88, $3  }
0x1: {  	(tag) =	ssettag $0x0;
	lr =	simm.s32 $0x1  }
0x2: {  	[smem:$0x3F9E] =	sst lr;
	_ =	strace $0xD0000000  }
0x3: {  	_ = 	snop  }
0x4: {  	_ = 	snop  }
0x5: {  	_ = 	snop  }
0x6: {  	_ = 	snop  }
0x7: {  	_ = 	snop  }
__scs_overlays_trampoline_lowered:
0x8: {  	[smem:$0x3FAD] =	sst s0  }
0x9: {  	[smem:$0x3FAE] =	sst s1  }
0xa: {  	[smem:$0x3FAF] =	sst s2  }
0xb: {  	[smem:$0x3FB0] =	sst s3  }
0xc: {  	[smem:$0x3FB1] =	sst s4  }
0xd: {  	[smem:$0x3FB2] =	sst s5  }
0xe: {  	[smem:$0x3FB3] =	sst s6  }
0xf: {  	[smem:$0x3FB4] =	sst s7  }
0x10: {  	[smem:$0x3FB5] =	sst s8  }
0x11: {  	[smem:$0x3FB6] =	sst s9;
	s0 =	simm.s32 @!p0 $0x0  }
0x12: {  	s1 =	sld [smem:$0x3F9C];
	s0 =	simm.s32 @p0 $0x1  }
0x13: {  	[smem:$0x3FB7] =	sst s0;
	s0 =	simm.s32 @!p1 $0x0  }
0x14: {  	s2 =	sld [smem:$0x3F9B];
	s0 =	simm.s32 @p1 $0x1  }
0x15: {  	[smem:$0x3FB8] =	sst s0;
	s0 =	simm.s32 @!p2 $0x0  }
0x16: {  	s3 =	sld [smem:$0x3FDB];
	s0 =	simm.s32 @p2 $0x1  }
0x17: {  	s4 =	simm.s32 $0x1BF5;
	[smem:$0x3FBA] =	sst s0  }
0x18: {  	s0 =	sld [smem:$0x3F9D];
	_ =	swait.ge [sflag:s4], $0x0  }
0x19: {  	s7 =	sld [smem:$0x3F9E]  }
0x1a: {  	s8 =	sadd.s32 $0xFFFFE003, lr  }
0x1b: {  	s9 =	sadd.s32 $0xFFFFFEF7, lr;
	s5 =	simm.s32 $0xFFFFFFFF;
	p2 =	slt.u32 s8, $0xFFFFF086  }
0x1c: {  	p1 =	slt.u32 s9, $0xF7A;
	s5 =	simm.s32 @!p2 $0x0  }
0x1d: {  	s5 =	simm.s32 @p1 $0x1;
	p0 =	seq.s32 s7, s2  }
0x1e: {  	s7 =	smul.u32 @!p0 $0xF7A, s2;
	p2 =	seq.s32 @!p0 s5, $0x0  }
0x1f: {  	s9 =	smul.u32 $0xF7A, s1;
	s8 =	simm.s32 @!p0 $0x1BF5;
	p2 =	por !p2, p0  }
0x20: {  	[sflag:s8] =	ssyncset.s32 @!p0 $0xFFFFF086;
	s6 =	sadd.s32 @!p0 s3, s7;
	s7 =	simm.s32 @!p0 $0x108  }
0x21: {  	s3 =	sadd.s32 s3, s9;
	s6 =	sadd.s32 @!p0 $0x88, s6;
	s7 =	simm.s32 @p2 $0x1082  }
0x22: {  	[simem:s7], [sflag:s8] =	dma.local @!p0 [hbm:s6], $0xF7A  }
0x23: {  	s9 =	sor.u32 $0xD0000000, s2;
	s6 =	simm.s32 $0x108;
	_ =	swait.ge @!p0 [sflag:s8], $0x0  }
0x24: {  	s3 =	sadd.s32 $0x88, s3;
	s6 =	simm.s32 @!p1 $0x1082;
	[sflag:s4] =	ssyncset.s32 $0xFFFFF086  }
0x25: {  	[simem:s6], [sflag:s4] =	dma.local [hbm:s3], $0xF7A  }
0x26: {  	[smem:$0x3F9E] =	sst s1;
	(tag) =	ssettag s2;
	_ =	strace s9  }
0x27: {  	s1 =	sld [smem:$0x3FAE]  }
0x28: {  	s2 =	sld [smem:$0x3FAF]  }
0x29: {  	s4 =	sld [smem:$0x3FB1]  }
0x2a: {  	p0 =	seq.s32 s5, $0x0;
	s5 =	sld [smem:$0x3FB2]  }
0x2b: {  	s6 =	sld [smem:$0x3FB3]  }
0x2c: {  	s7 =	sld [smem:$0x3FB4]  }
0x2d: {  	s3 =	simm.s32 $0x108;
	s8 =	sld [smem:$0x3FB5]  }
0x2e: {  	s3 =	simm.s32 @!p0 $0x1082;
	s9 =	sld [smem:$0x3FB6]  }
0x2f: {  	lr =	sadd.s32 s0, s3;
	s0 =	sld [smem:$0x3FAD]  }
0x30: {  	s3 =	sld [smem:$0x3FB0]  }
0x31: {  	[smem:$0x3FB9] =	sst s10  }
0x32: {  	s10 =	sld [smem:$0x3FB7];
	_ =	sdelay $0x3  }
0x33: {  	p0 =	seq.s32 s10, $0x1;
	s10 =	sld [smem:$0x3FB9];
	_ =	sdelay $0x3  }
0x34: {  	[smem:$0x3FB9] =	sst s10  }
0x35: {  	s10 =	sld [smem:$0x3FB8];
	_ =	sdelay $0x3  }
0x36: {  	p1 =	seq.s32 s10, $0x1;
	s10 =	sld [smem:$0x3FB9];
	_ =	sdelay $0x3  }
0x37: {  	[smem:$0x3FB9] =	sst s10  }
0x38: {  	s10 =	sld [smem:$0x3FBA]  }
0x39: {  	_ = 	snop;
	(pc) =	sbr.ind lr, $3  }
0x3a: {  	_ = 	snop  }
0x3b: {  	_ = 	snop  }
0x3c: {  	p2 =	seq.s32 s10, $0x1;
	s10 =	sld [smem:$0x3FB9]  }
0x3d: {  	_ =	shalt  }
0x3e: {  	_ =	shalt  }
0x3f: {  	_ =	shalt  }
0x40: {  	_ =	shalt  }
0x41: {  	_ =	shalt  }
0x42: {  	_ =	shalt  }
0x43: {  	_ =	shalt  }
0x44: {  	_ =	shalt  }
0x45: {  	_ =	shalt  }
0x46: {  	_ =	shalt  }
0x47: {  	_ =	shalt  }
0x48: {  	_ =	shalt  }
0x49: {  	_ =	shalt  }
0x4a: {  	_ =	shalt  }
0x4b: {  	_ =	shalt  }
0x4c: {  	_ =	shalt  }
0x4d: {  	_ =	shalt  }
0x4e: {  	_ =	shalt  }
0x4f: {  	_ =	shalt  }
0x50: {  	_ =	shalt  }
0x51: {  	_ =	shalt  }
0x52: {  	_ =	shalt  }
0x53: {  	_ =	shalt  }
0x54: {  	_ =	shalt  }
0x55: {  	_ =	shalt  }
0x56: {  	_ =	shalt  }
0x57: {  	_ =	shalt  }
0x58: {  	_ =	shalt  }
0x59: {  	_ =	shalt  }
0x5a: {  	_ =	shalt  }
0x5b: {  	_ =	shalt  }
0x5c: {  	_ =	shalt  }
0x5d: {  	_ =	shalt  }
0x5e: {  	_ =	shalt  }
0x5f: {  	_ =	shalt  }
0x60: {  	_ =	shalt  }
0x61: {  	_ =	shalt  }
0x62: {  	_ =	shalt  }
0x63: {  	_ =	shalt  }
0x64: {  	_ =	shalt  }
0x65: {  	_ =	shalt  }
0x66: {  	_ =	shalt  }
0x67: {  	_ =	shalt  }
0x68: {  	_ =	shalt  }
0x69: {  	_ =	shalt  }
0x6a: {  	_ =	shalt  }
0x6b: {  	_ =	shalt  }
0x6c: {  	_ =	shalt  }
0x6d: {  	_ =	shalt  }
0x6e: {  	_ =	shalt  }
0x6f: {  	_ =	shalt  }
0x70: {  	_ =	shalt  }
0x71: {  	_ =	shalt  }
0x72: {  	_ =	shalt  }
0x73: {  	_ =	shalt  }
0x74: {  	_ =	shalt  }
0x75: {  	_ =	shalt  }
0x76: {  	_ =	shalt  }
0x77: {  	_ =	shalt  }
0x78: {  	_ =	shalt  }
0x79: {  	_ =	shalt  }
0x7a: {  	_ =	shalt  }
0x7b: {  	_ =	shalt  }
0x7c: {  	_ =	shalt  }
0x7d: {  	_ =	shalt  }
0x7e: {  	_ =	shalt  }
0x7f: {  	_ =	shalt  }
0x80: {  	_ =	shalt  }
0x81: {  	_ =	shalt  }
0x82: {  	_ =	shalt  }
0x83: {  	_ =	shalt  }
0x84: {  	_ =	shalt  }
0x85: {  	_ =	shalt  }
0x86: {  	_ =	shalt  }
0x87: {  	_ =	shalt  }
.Lfunc_end0:
.L_simem_size_0:
called_computation_lowered:
.L_overlay_start_0:
0x88: {  	s2 =	sld [smem:$0x3FD9]  }
0x89: {  	s3 =	sld [smem:$0x3FFE];
	_ =	sdelay $0x1  }
0x8a: {  	s1 =	srdreg.scid  }
0x8b: {  	s0 =	sand.u32 $0x1, s1  }
0x8c: {  	s18 =	sshll.u32 s0, $0xA;
	s2 =	sadd.s32 s3, s2  }
0x8d: {  	s2 =	sadd.s32 s2, s18  }
0x8e: {  	[smem:$0x3FC5] =	sst s2  }
0x8f: {  	_ = 	snop  }
0x90: {  	s2 =	sld [smem:$0x3FC9]  }
0x91: {  	s19 =	sld [smem:$0x3FC8]  }
0x92: {  	s4 =	sld [smem:$0x3FC7]  }
0x93: {  	s5 =	sld [smem:$0x3FD0];
	(tm) =	ssettm $0x1  }
0x94: {  	s6 =	sld [smem:$0x3FFB];
	_ =	sdelay $0x3  }
0x95: {  	_ =	strace s6  }
0x96: {  	s6 =	sld [smem:$0x3FFC];
	_ =	sdelay $0x3  }
0x97: {  	_ =	strace s6  }
0x98: {  	s6 =	sld [smem:$0x3FFD];
	_ =	sdelay $0x3  }
0x99: {  	_ =	strace s6  }
0x9a: {  	_ =	strace $0x8FFFFFFF  }
0x9b: {  	s20 =	sld [smem:$0x3FDB];
	_ =	sdelay $0x1  }
0x9c: {  	s7 =	simm.s32 $_scs_section_size  }
0x9d: {  	s8 =	simm.s32 $_size__tile_overlayer_lowered;
	s9 =	simm.s32 $_tile_overlayer_lowered  }
0x9e: {  	s23 =	simm.s32 $0x1BFF;
	s22 =	sshll.u32 s9, $0x1;
	s6 =	sadd.s32 s7, s20  }
0x9f: {  	s10 =	simm.s32 $0x0;
	s21 =	sshll.u32 s8, $0x1;
	s8 =	sadd.s32 s22, s6  }
0xa0: {  	[timem:s10], [sflag:s23] =	dma.local [hbm:s8], s21  }
0xa1: {  	_ =	swait.ge [sflag:s23], s21  }
0xa2: {  	s7 =	ssub.s32 $0x0, s21;
	[sflag:s23] =	ssyncset.done $0x0  }
0xa3: {  	[sflag:s23] =	ssyncadd.s32 s7;
	_ =	sdelay $0x1  }
0xa4: {  	s24 =	simm.s32 $0x1B8B  }
0xa5: {  	_ =	swait.ge [sflag:s24], $0x1  }
0xa6: {  	[sflag:s24] =	ssyncset.done $0x0  }
0xa7: {  	s25 =	simm.s32 $0x1B8E;
	[sflag:s24] =	ssyncadd.s32 $0xFFFFFFFF  }
0xa8: {  	s26 =	simm.s32 $execute0_lowered;
	[smem:$0x3FD2] =	sst s25  }
0xa9: {  	s7 =	sshll.u32 s26, $0x1;
	_ =	strace $0x80000046;
	[dreg:$0x1] =	wrdreg $0xFFFFFFFF  }
0xaa: {  	s28 =	simm.s32 $_size_execute0_lowered;
	s6 =	sadd.s32 s6, s7;
	[dreg:$0x0] =	wrdreg $0x0  }
0xab: {  	s7 =	sshll.u32 s28, $0x1;
	[dreg:$0x2] =	wrdreg s6  }
0xac: {  	[dreg:$0x3] =	wrdreg s7  }
0xad: {  	[dreg:$0x4] =	wrdreg $0xC0  }
0xae: {  	_ =	task [dreg:s10], $0x5FFFF  }
0xaf: {  	[dreg:$0x1] =	wrdreg $0xFFFFFFFF  }
0xb0: {  	[dreg:$0x0] =	wrdreg $0x60  }
0xb1: {  	[dreg:$0x2] =	wrdreg s2  }
0xb2: {  	[dreg:$0x3] =	wrdreg s19  }
0xb3: {  	[dreg:$0x4] =	wrdreg s4  }
0xb4: {  	[dreg:$0x5] =	wrdreg s5  }
0xb5: {  	[dreg:$0x6] =	wrdreg $0x6A800  }
0xb6: {  	[dreg:$0x7] =	wrdreg $0x9  }
0xb7: {  	_ =	task.clear_ibuf [dreg:s10], $0x8FFFF;
	_ =	strace $0x90000046  }
0xb8: {  	s29 =	simm.s32 $0x9;
	_ =	strace $0x80000048  }
0xb9: {  	_ =	swait.ge [sflag:s29], $0x1  }
0xba: {  	[sflag:s29] =	ssyncadd.s32 $0xFFFFFFFF  }
0xbb: {  	_ =	strace $0x90000048  }
0xbc: {  	_ =	sfence  }
0xbd: {  	s30 =	sld [smem:$0x0];
	_ =	sdelay $0x2  }
0xbe: {  	s31 =	sshll.u32 s1, $0xD;
	s1 =	sshrl.u32 s1, $0x2  }
0xbf: {  	s3 =	sand.u32 $0x4000, s31;
	s1 =	sadd.s32 s1, s30  }
0xc0: {  	s0 =	sor.u32 s3, s0;
	s1 =	sshll.u32 s1, $0x11  }
0xc1: {  	s0 =	sor.u32 s1, s0  }
0xc2: {  	s0 =	sadd.s32 $0x8F2B, s0  }
0xc3: {  	[sflag:s0] =	ssyncadd.remote.s32 $0x1  }
0xc4: {  	_ =	sfence.sel $0xFFFF  }
0xc5: {  	[dreg:$0x0] =	wrdreg $0xFFFFFFFF;
	(pc) =	sbr.abs _section_cstart, $3  }
0xc6: {  	[dreg:$0x1] =	wrdreg $0xFFFFFFFF  }
0xc7: {  	_ =	task.clear_ibuf [dreg:s10], $0x2FFFF;
	_ =	strace $0x9FFFFFFF  }
0xc8: {  	(tm) =	ssettm $0x7FFFFFFF  }
0xc9: {  	_ =	shalt  }
tec
execute0_lowered:
.L_overlay_start_1:
0x0: {  	(tag) =	ssettag $0x1  }
0x1: {  	s0 =	rddreg [dreg:$0x0]  }
0x2: {  	s1 =	rddreg [dreg:$0x1]  }
0x3: {  	s4 =	rddreg [dreg:$0x3]  }
0x4: {  	s2 =	rddreg [dreg:$0x4];
	s3 =	simm.s32 $0x0  }
0x5: {  	s5 =	srdreg.scid;
	s17 =	stileid.u32;
	s28 =	simm.s32 $0xE00  }
0x6: {  	s29 =	simm.s32 $0xC00;
	s30 =	simm.s32 $0x6800;
	s31 =	simm.s32 $0x0  }
0x7: {  	[smem:$0x7FF] =	sst s3;
	s5 =	sand.u32 $0x1, s5;
	s6 =	sshll.u32 s17, $0x1  }
0x8: {  	s8 =	smul.u32 $0xF420, s17;
	s13 =	sshrl.u32 s17, $0x2;
	p0 =	sne.s32 s17, $0x0  }
0x9: {  	s17 =	simm.s32 $0x15EA8;
	s14 =	sor.u32 s5, s6;
	s5 =	ssub.s32 $0x2, s5  }
0xa: {  	s6 =	smul.u32 $0x1A000, s13;
	_ =	strace $0x80000047;
	s13 =	sadd.s32 $0x1E840, s1  }
0xb: {  	s7 =	sshll.u32 s14, $0x7;
	s9 =	sshrl.u32 s5, $0x1;
	s15 =	sadd.s32 $0x3D08, s8  }
0xc: {  	s19 =	sshrl.u32 s8, $0x3;
	s23 =	sadd.s32 $0x7A10, s8;
	s12 =	sadd.s32 $0xB718, s8  }
0xd: {  	s26 =	sshll.u32 s14, $0x6;
	s14 =	sadd.s32 $0xF4200, s2;
	s7 =	sand.u32 $0x380, s7  }
0xe: {  	s16 =	ssub.s32 s5, s9;
	s20 =	sshrl.u32 s15, $0x3;
	s21 =	sadd.s32 s1, s19  }
0xf: {  	s24 =	sshrl.u32 s23, $0x3;
	s25 =	sshrl.u32 s12, $0x3;
	s11 =	sadd.s32 s23, s2  }
0x10: {  	s12 =	sadd.s32 s12, s2;
	s23 =	simm.s32 $0x3;
	s18 =	sor.u32 s6, s7  }
0x11: {  	[dreg:$0x6] =	wrdreg s21;
	s22 =	sadd.s32 s1, s20;
	s7 =	sadd.s32 s8, s2  }
0x12: {  	s8 =	sadd.s32 s15, s2;
	s9 =	sadd.s32 s1, s24;
	s15 =	sadd.s32 s4, s26  }
0x13: {  	s16 =	smax.u32 s16, $0x1;
	s21 =	simm.s32 $0x6A00;
	s24 =	simm.s32 $0x4  }
0x14: {  	s26 =	simm.s32 $0x1;
	s20 =	simm.s32 $0x2;
	s10 =	sshrl.u32 s18, $0x3  }
0x15: {  	[dreg:$0x7] =	wrdreg s22;
	s18 =	simm.s32 $0x19C28;
	s22 =	simm.s32 $0x6  }
0x16: {  	s6 =	sadd.s32 s0, s10;
	s10 =	sadd.s32 s1, s25;
	s25 =	simm.s32 $0x5  }
.LBB2_1:
0x17: {  	s0 =	rddreg [dreg:$0x6]  }
0x18: {  	[tilespmem:s17], [sflag:$0x3] =	stream.linear.gather [hbm4b:s0+s3], $0x3D08, $0x38;
	[tilespmem:$0x1D9A8] =	vst v63  }
0x19: {  	s5 =	rddreg [dreg:$0x7]  }
0x1a: {  	[tilespmem:s18], [sflag:$0x4] =	stream.linear.gather [hbm4b:s5+s3], $0x3D08, $0x38;
	[tilespmem:$0x1D9A8] =	vst v63  }
0x1b: {  	s19 =	simm.s32 $0x80;
	s1 =	simm.s32 $0x400  }
0x1c: {  	[tilespmem:s3], [sflag:$0x1] =	stream.strided.gather [hbm4b:s6+s19], $0x3400, s1, s19, $0x38;
	[tilespmem:$0x1D9A8] =	vst v63  }
0x1d: {  	s4 =	rddreg [dreg:$0x2]  }
0x1e: {  	[tilespmem:s21], [sflag:$0x6] =	stream.linear.gather [hbm4b:s4+s3], $0x80, $0x38;
	[tilespmem:$0x1D9A8] =	vst v63  }
0x1f: {  	_ =	swait.ge [sflag:s22], $0x80  }
0x20: {  	[sflag:s22] =	ssyncset.done $0x0  }
0x21: {  	[sflag:s22] =	ssyncadd.s32 $0xFFFFFF80  }
0x22: {  	_ =	swait.ge [sflag:s23], $0x3D08  }
0x23: {  	[sflag:s23] =	ssyncset.done $0x0  }
0x24: {  	[sflag:s23] =	ssyncadd.s32 $0xFFFFC2F8  }
0x25: {  	[spmem:s7] =	stream.linear.scatter [tilespmem:s17], [sflag:$0x5], $0x3D08, $0x38;
	[tilespmem:$0x1D9A8] =	vst v63  }
0x26: {  	_ =	swait.ge [sflag:s24], $0x3D08  }
0x27: {  	[sflag:s24] =	ssyncset.done $0x0  }
0x28: {  	[sflag:s24] =	ssyncadd.s32 $0xFFFFC2F8  }
0x29: {  	[spmem:s8] =	stream.linear.scatter [tilespmem:s18], [sflag:$0x5], $0x3D08, $0x38;
	[tilespmem:$0x1D9A8] =	vst v63  }
0x2a: {  	_ =	swait.ge [sflag:s25], $0x3D08  }
0x2b: {  	[sflag:s25] =	ssyncset.done $0x0  }
0x2c: {  	[sflag:s25] =	ssyncadd.s32 $0xFFFFC2F8  }
0x2d: {  	[tilespmem:s17], [sflag:$0x3] =	stream.linear.gather [hbm4b:s9+s3], $0x3D08, $0x38;
	[tilespmem:$0x1D9A8] =	vst v63  }
0x2e: {  	_ =	swait.ge [sflag:s25], $0x3D08  }
0x2f: {  	[sflag:s25] =	ssyncset.done $0x0  }
0x30: {  	[sflag:s25] =	ssyncadd.s32 $0xFFFFC2F8  }
0x31: {  	[tilespmem:s18], [sflag:$0x4] =	stream.linear.gather [hbm4b:s10+s3], $0x3D08, $0x38;
	[tilespmem:$0x1D9A8] =	vst v63  }
0x32: {  	_ =	swait.ge [sflag:s23], $0x3D08  }
0x33: {  	[sflag:s23] =	ssyncset.done $0x0  }
0x34: {  	[sflag:s23] =	ssyncadd.s32 $0xFFFFC2F8  }
0x35: {  	[spmem:s11] =	stream.linear.scatter [tilespmem:s17], [sflag:$0x5], $0x3D08, $0x38;
	[tilespmem:$0x1D9A8] =	vst v63  }
0x36: {  	_ =	swait.ge [sflag:s24], $0x3D08  }
0x37: {  	[sflag:s24] =	ssyncset.done $0x0  }
0x38: {  	[sflag:s24] =	ssyncadd.s32 $0xFFFFC2F8  }
0x39: {  	[spmem:s12] =	stream.linear.scatter [tilespmem:s18], [sflag:$0x5], $0x3D08, $0x38;
	[tilespmem:$0x1D9A8] =	vst v63  }
0x3a: {  	_ =	swait.ge [sflag:s25], $0x3D08  }
0x3b: {  	[sflag:s25] =	ssyncset.done $0x0  }
0x3c: {  	[sflag:s25] =	ssyncadd.s32 $0xFFFFC2F8  }
0x3d: {  	_ =	swait.ge [sflag:s25], $0x3D08  }
0x3e: {  	[sflag:s25] =	ssyncset.done $0x0  }
0x3f: {  	s0 =	simm.s32 @!p0 $0x0;
	s1 =	simm.s32 @!p0 $0x15EA8;
	[sflag:s25] =	ssyncadd.s32 $0xFFFFC2F8  }
0x40: {  	[tilespmem:s1], [sflag:$0x6] =	stream.linear.gather @!p0 [hbm4b:s13+s0], $0x40, $0x38;
	[tilespmem:$0x1D9A8] =	vst v63  }
0x41: {  	s0 =	simm.s32 @!p0 $0x6  }
0x42: {  	_ =	swait.ge @!p0 [sflag:s0], $0x40  }
0x43: {  	[sflag:s0] =	ssyncset.done @!p0 $0x0  }
0x44: {  	[sflag:s0] =	ssyncadd.s32 @!p0 $0xFFFFFFC0  }
0x45: {  	[spmem:s14] =	stream.linear.scatter @!p0 [tilespmem:s1], [sflag:$0x6], $0x40, $0x38;
	[tilespmem:$0x1D9A8] =	vst v63  }
0x46: {  	_ =	swait.ge @!p0 [sflag:s0], $0x40  }
0x47: {  	[sflag:s0] =	ssyncset.done @!p0 $0x0  }
0x48: {  	[sflag:s0] =	ssyncadd.s32 @!p0 $0xFFFFFFC0  }
0x49: {  	_ =	swait.ge [sflag:s26], $0x3400  }
0x4a: {  	[sflag:s26] =	ssyncset.done $0x0  }
0x4b: {  	[sflag:s26] =	ssyncadd.s32 $0xFFFFCC00  }
0x4c: {  	s0 =	simm.s32 $0x3400;
	[bflag:$0x0] =	sbarrier.arrive $0xFFFF  }
0x4d: {  	[tilespmem:s0], [sflag:$0x2] =	stream.indirect.gather [spmem:s2], $0x1, s3, s28, $0xb8;
	[tilespmem:$0x1D9A8] =	vst v63  }
0x4e: {  	s5 =	simm.s32 $0x4200  }
0x4f: {  	[tilespmem:s5], [sflag:$0x3] =	stream.indirect.gather [spmem:s2], $0x1, s28, s29, $0xb8;
	[tilespmem:$0x1D9A8] =	vst v63  }
0x50: {  	s19 =	simm.s32 $0x1A00;
	s4 =	simm.s32 $0x4E00  }
0x51: {  	[tilespmem:s4], [sflag:$0x4] =	stream.indirect.gather [spmem:s2], $0x1, s19, s28, $0xb8;
	[tilespmem:$0x1D9A8] =	vst v63  }
0x52: {  	s5 =	simm.s32 $0x5C00;
	s4 =	simm.s32 $0x2800  }
0x53: {  	[tilespmem:s5], [sflag:$0x5] =	stream.indirect.gather [spmem:s2], $0x1, s4, s29, $0xb8;
	[tilespmem:$0x1D9A8] =	vst v63  }
0x54: {  	v0 =	vld.msk [tilespmem:s21+$0x0], $0xffff;
	_ =	swait.ge [sflag:s20], $0xE00  }
0x55: {  	[sflag:s20] =	ssyncset.done $0x0  }
0x56: {  	[sflag:s20] =	ssyncadd.s32 $0xFFFFF200  }
0x57: {  	v1 =	vld [tilespmem:s0+$0x0]  }
0x58: {  	s19 =	sand.u32 $0x1F0, s3  }
0x59: {  	v2 =	vld [tilespmem:s19+$0x3600];
	_ =	sdelay $0x1  }
0x5a: {  	v3 =	vld [tilespmem:s19+$0x3800]  }
0x5b: {  	v1 =	vadd.f32 v1, v0  }
0x5c: {  	v4 =	vld [tilespmem:s19+$0x3A00]  }
0x5d: {  	v1 =	vadd.f32 v2, v1  }
0x5e: {  	v2 =	vld [tilespmem:s19+$0x3C00]  }
0x5f: {  	v1 =	vadd.f32 v3, v1  }
0x60: {  	v3 =	vld [tilespmem:s19+$0x3E00]  }
0x61: {  	v1 =	vadd.f32 v4, v1  }
0x62: {  	v63 =	vld [tilespmem:s19+$0x4000]  }
0x63: {  	v1 =	vadd.f32 v2, v1;
	_ =	sdelay $0x1  }
0x64: {  	v1 =	vadd.f32 v3, v1;
	_ =	sdelay $0x1  }
0x65: {  	v1 =	vadd.f32 v63, v1;
	_ =	sdelay $0x1  }
0x66: {  	s1 =	simm.s32 $0x3410;
	[tilespmem:s30+$0x0] =	vst v1  }
0x67: {  	s4 =	simm.s32 $0x20;
	s0 =	simm.s32 $0x6800;
	s19 =	simm.s32 $0x10;
	v1 =	vld [tilespmem:s1+$0x0]  }
.LBB2_2:
0x68: {  	p1 =	sne.s32 s4, $0x1F0;
	s5 =	sand.u32 $0x1F0, s19;
	s19 =	smov.u32 s4  }
0x69: {  	v2 =	vld [tilespmem:s5+$0x3600];
	_ =	sdelay $0x1  }
0x6a: {  	v3 =	vld [tilespmem:s5+$0x3800]  }
0x6b: {  	v1 =	vadd.f32 v1, v0  }
0x6c: {  	v4 =	vld [tilespmem:s5+$0x3A00]  }
0x6d: {  	v1 =	vadd.f32 v2, v1  }
0x6e: {  	v2 =	vld [tilespmem:s5+$0x3C00]  }
0x6f: {  	v1 =	vadd.f32 v3, v1  }
0x70: {  	v3 =	vld [tilespmem:s5+$0x3E00]  }
0x71: {  	v1 =	vadd.f32 v4, v1  }
0x72: {  	v4 =	vld [tilespmem:s5+$0x4000]  }
0x73: {  	v1 =	vadd.f32 v2, v1;
	_ =	sdelay $0x1  }
0x74: {  	v1 =	vadd.f32 v3, v1  }
.Ltmp0:
0x75: {  	(pc) =	sbr.rel @p1 .LBB2_2-.Ltmp0, $4  }
0x76: {  	v1 =	vadd.f32 v4, v1  }
0x77: {  	s0 =	sadd.s32 $0x10, s0  }
0x78: {  	s1 =	sadd.s32 $0x10, s1;
	[tilespmem:s0+$0x0] =	vst v1  }
0x79: {  	s4 =	sadd.s32 $0x10, s4;
	v1 =	vld [tilespmem:s1+$0x0]  }
0x7a: {  	s1 =	sand.u32 $0x1F0, s19  }
0x7b: {  	v2 =	vld [tilespmem:s1+$0x3600];
	_ =	sdelay $0x1  }
0x7c: {  	v3 =	vld [tilespmem:s1+$0x3800]  }
0x7d: {  	v0 =	vadd.f32 v1, v0  }
0x7e: {  	v1 =	vld [tilespmem:s1+$0x3A00]  }
0x7f: {  	v0 =	vadd.f32 v2, v0  }
0x80: {  	v2 =	vld [tilespmem:s1+$0x3C00]  }
0x81: {  	v0 =	vadd.f32 v3, v0  }
0x82: {  	v3 =	vld [tilespmem:s1+$0x3E00]  }
0x83: {  	v0 =	vadd.f32 v1, v0  }
0x84: {  	v1 =	vld [tilespmem:s1+$0x4000]  }
0x85: {  	v0 =	vadd.f32 v2, v0;
	_ =	sdelay $0x1  }
0x86: {  	v0 =	vadd.f32 v3, v0;
	_ =	sdelay $0x1  }
0x87: {  	v0 =	vadd.f32 v1, v0  }
0x88: {  	s0 =	sadd.s32 $0x10, s0  }
0x89: {  	[tilespmem:s0+$0x0] =	vst v0  }
0x8a: {  	_ =	swait.ge [sflag:s23], $0xC00  }
0x8b: {  	s19 =	simm.s32 $0x0;
	[sflag:s23] =	ssyncset.done $0x0  }
0x8c: {  	s1 =	sand.u32 $0x1F0, s19;
	[sflag:s23] =	ssyncadd.s32 $0xFFFFF400  }
0x8d: {  	s4 =	simm.s32 $0x10;
	s0 =	simm.s32 $0x6800;
	v0 =	vld [tilespmem:s1+$0x4200]  }
.LBB2_4:
0x8e: {  	p1 =	sne.s32 s4, $0x1F0;
	v1 =	vld [tilespmem:s0+$0x0];
	_ =	sdelay $0x1  }
0x8f: {  	v2 =	vld [tilespmem:s1+$0x4400];
	_ =	sdelay $0x1  }
0x90: {  	v3 =	vld [tilespmem:s1+$0x4600]  }
0x91: {  	v0 =	vadd.f32 v0, v1  }
0x92: {  	v1 =	vld [tilespmem:s1+$0x4800]  }
0x93: {  	v0 =	vadd.f32 v2, v0  }
0x94: {  	v2 =	vld [tilespmem:s1+$0x4A00]  }
0x95: {  	v0 =	vadd.f32 v3, v0  }
0x96: {  	v3 =	vld [tilespmem:s1+$0x4C00]  }
0x97: {  	v0 =	vadd.f32 v1, v0;
	_ =	sdelay $0x1  }
0x98: {  	v0 =	vadd.f32 v2, v0  }
.Ltmp1:
0x99: {  	(pc) =	sbr.rel @p1 .LBB2_4-.Ltmp1, $3  }
0x9a: {  	v0 =	vadd.f32 v3, v0;
	_ =	sdelay $0x1  }
0x9b: {  	s1 =	sand.u32 $0x1F0, s4;
	[tilespmem:s0+$0x0] =	vst v0  }
0x9c: {  	s4 =	sadd.s32 $0x10, s4;
	s0 =	sadd.s32 $0x10, s0;
	v0 =	vld [tilespmem:s1+$0x4200]  }
0x9d: {  	v1 =	vld [tilespmem:s0+$0x0];
	_ =	sdelay $0x1  }
0x9e: {  	v2 =	vld [tilespmem:s1+$0x4400];
	_ =	sdelay $0x1  }
0x9f: {  	v3 =	vld [tilespmem:s1+$0x4600]  }
0xa0: {  	v0 =	vadd.f32 v0, v1  }
0xa1: {  	v1 =	vld [tilespmem:s1+$0x4800]  }
0xa2: {  	v0 =	vadd.f32 v2, v0  }
0xa3: {  	v2 =	vld [tilespmem:s1+$0x4A00]  }
0xa4: {  	v0 =	vadd.f32 v3, v0  }
0xa5: {  	v3 =	vld [tilespmem:s1+$0x4C00]  }
0xa6: {  	v0 =	vadd.f32 v1, v0;
	_ =	sdelay $0x1  }
0xa7: {  	v0 =	vadd.f32 v2, v0;
	_ =	sdelay $0x1  }
0xa8: {  	v0 =	vadd.f32 v3, v0;
	_ =	sdelay $0x1  }
0xa9: {  	[tilespmem:s0+$0x0] =	vst v0  }
0xaa: {  	_ =	swait.ge [sflag:s24], $0xE00  }
0xab: {  	s19 =	simm.s32 $0x0;
	[sflag:s24] =	ssyncset.done $0x0  }
0xac: {  	s1 =	sand.u32 $0x1F0, s19;
	[sflag:s24] =	ssyncadd.s32 $0xFFFFF200  }
0xad: {  	s4 =	simm.s32 $0x10;
	s0 =	simm.s32 $0x6800;
	v0 =	vld [tilespmem:s1+$0x4E00]  }
.LBB2_6:
0xae: {  	p1 =	sne.s32 s4, $0x1F0;
	v1 =	vld [tilespmem:s0+$0x0];
	_ =	sdelay $0x1  }
0xaf: {  	v2 =	vld [tilespmem:s1+$0x5000];
	_ =	sdelay $0x1  }
0xb0: {  	v3 =	vld [tilespmem:s1+$0x5200]  }
0xb1: {  	v0 =	vadd.f32 v0, v1  }
0xb2: {  	v1 =	vld [tilespmem:s1+$0x5400]  }
0xb3: {  	v0 =	vadd.f32 v2, v0  }
0xb4: {  	v2 =	vld [tilespmem:s1+$0x5600]  }
0xb5: {  	v0 =	vadd.f32 v3, v0  }
0xb6: {  	v3 =	vld [tilespmem:s1+$0x5800]  }
0xb7: {  	v0 =	vadd.f32 v1, v0  }
0xb8: {  	v1 =	vld [tilespmem:s1+$0x5A00]  }
0xb9: {  	v0 =	vadd.f32 v2, v0;
	_ =	sdelay $0x1  }
0xba: {  	v0 =	vadd.f32 v3, v0  }
.Ltmp2:
0xbb: {  	(pc) =	sbr.rel @p1 .LBB2_6-.Ltmp2, $3  }
0xbc: {  	v0 =	vadd.f32 v1, v0;
	_ =	sdelay $0x1  }
0xbd: {  	s1 =	sand.u32 $0x1F0, s4;
	[tilespmem:s0+$0x0] =	vst v0  }
0xbe: {  	s4 =	sadd.s32 $0x10, s4;
	s0 =	sadd.s32 $0x10, s0;
	v0 =	vld [tilespmem:s1+$0x4E00]  }
0xbf: {  	v1 =	vld [tilespmem:s0+$0x0];
	_ =	sdelay $0x1  }
0xc0: {  	v2 =	vld [tilespmem:s1+$0x5000];
	_ =	sdelay $0x1  }
0xc1: {  	v3 =	vld [tilespmem:s1+$0x5200]  }
0xc2: {  	v0 =	vadd.f32 v0, v1  }
0xc3: {  	v1 =	vld [tilespmem:s1+$0x5400]  }
0xc4: {  	v0 =	vadd.f32 v2, v0  }
0xc5: {  	v2 =	vld [tilespmem:s1+$0x5600]  }
0xc6: {  	v0 =	vadd.f32 v3, v0  }
0xc7: {  	v3 =	vld [tilespmem:s1+$0x5800]  }
0xc8: {  	v0 =	vadd.f32 v1, v0  }
0xc9: {  	v1 =	vld [tilespmem:s1+$0x5A00]  }
0xca: {  	v0 =	vadd.f32 v2, v0;
	_ =	sdelay $0x1  }
0xcb: {  	v0 =	vadd.f32 v3, v0;
	_ =	sdelay $0x1  }
0xcc: {  	v0 =	vadd.f32 v1, v0;
	_ =	sdelay $0x1  }
0xcd: {  	[tilespmem:s0+$0x0] =	vst v0  }
0xce: {  	_ =	swait.ge [sflag:s25], $0xC00  }
0xcf: {  	s19 =	simm.s32 $0x0;
	[sflag:s25] =	ssyncset.done $0x0  }
0xd0: {  	s1 =	sand.u32 $0x1F0, s19;
	[sflag:s25] =	ssyncadd.s32 $0xFFFFF400  }
0xd1: {  	s4 =	simm.s32 $0x10;
	s0 =	simm.s32 $0x6800;
	v0 =	vld [tilespmem:s1+$0x5C00]  }
.LBB2_8:
0xd2: {  	p1 =	sne.s32 s4, $0x1F0;
	v1 =	vld [tilespmem:s0+$0x0];
	_ =	sdelay $0x1  }
0xd3: {  	v2 =	vld [tilespmem:s1+$0x5E00];
	_ =	sdelay $0x1  }
0xd4: {  	v3 =	vld [tilespmem:s1+$0x6000]  }
0xd5: {  	v0 =	vadd.f32 v0, v1  }
0xd6: {  	v1 =	vld [tilespmem:s1+$0x6200]  }
0xd7: {  	v0 =	vadd.f32 v2, v0  }
0xd8: {  	v2 =	vld [tilespmem:s1+$0x6400]  }
0xd9: {  	v0 =	vadd.f32 v3, v0  }
0xda: {  	v3 =	vld [tilespmem:s1+$0x6600]  }
0xdb: {  	v0 =	vadd.f32 v1, v0;
	_ =	sdelay $0x1  }
0xdc: {  	v0 =	vadd.f32 v2, v0  }
.Ltmp3:
0xdd: {  	(pc) =	sbr.rel @p1 .LBB2_8-.Ltmp3, $3  }
0xde: {  	v0 =	vadd.f32 v3, v0;
	_ =	sdelay $0x1  }
0xdf: {  	s1 =	sand.u32 $0x1F0, s4;
	[tilespmem:s0+$0x0] =	vst v0  }
0xe0: {  	s4 =	sadd.s32 $0x10, s4;
	s0 =	sadd.s32 $0x10, s0;
	v0 =	vld [tilespmem:s1+$0x5C00]  }
0xe1: {  	v1 =	vld [tilespmem:s0+$0x0];
	_ =	sdelay $0x1  }
0xe2: {  	v2 =	vld [tilespmem:s1+$0x5E00];
	_ =	sdelay $0x1  }
0xe3: {  	v3 =	vld [tilespmem:s1+$0x6000]  }
0xe4: {  	v0 =	vadd.f32 v0, v1  }
0xe5: {  	v61 =	vld [tilespmem:s1+$0x6200]  }
0xe6: {  	v0 =	vadd.f32 v2, v0  }
0xe7: {  	v62 =	vld [tilespmem:s1+$0x6400]  }
0xe8: {  	v0 =	vadd.f32 v3, v0  }
0xe9: {  	v63 =	vld [tilespmem:s1+$0x6600]  }
0xea: {  	v0 =	vadd.f32 v61, v0;
	_ =	sdelay $0x1  }
0xeb: {  	v0 =	vadd.f32 v62, v0;
	_ =	sdelay $0x1  }
0xec: {  	s31 =	sadd.s32 $0x1, s31;
	v0 =	vadd.f32 v63, v0  }
0xed: {  	p1 =	sne.s32 s31, s16  }
.Ltmp4:
0xee: {  	[tilespmem:s0+$0x0] =	vst v0;
	(pc) =	sbr.rel @p1 .LBB2_1-.Ltmp4, $4  }
0xef: {  	[hbm4b:s15+s3] =	stream.linear.scatter [tilespmem:s30], [sflag:$0x6], $0x200, $0x38;
	[tilespmem:$0x1D9A8] =	vst v63  }
0xf0: {  	_ =	swait.ge [sflag:s22], $0x200  }
0xf1: {  	[sflag:s22] =	ssyncset.done $0x0  }
0xf2: {  	[sflag:s22] =	ssyncadd.s32 $0xFFFFFE00  }
0xf3: {  	_ =	sfence.sel $0x180000  }
0xf4: {  	[bflag:$0x0] =	sbarrier.arrive $0xFFFF  }
0xf5: {  	_ =	strace $0x90000047  }
0xf6: {  	[bflag:$0x2] =	sbarrier.arrive $0xFFFF  }
0xf7: {  	s0 =	rddreg [dreg:$0x5]  }
0xf8: {  	s0 =	sadd.s32 @!p0 $0x100000, s0  }
0xf9: {  	[sflag:s0] =	ssyncadd.tile.s32 @!p0 $0x1;
	_ =	shalt  }
.Lfunc_end2:
_tile_overlayer_lowered:
.L_overlay_start_2:
0xfa: {  	(tag) =	ssettag $0x2  }
0xfb: {  	s0 =	rddreg [dreg:$0x0];
	s2 =	stileid.u32  }
0xfc: {  	s1 =	rddreg [dreg:$0x1];
	p0 =	sne.s32 s2, $0x0  }
0xfd: {  	s3 =	rddreg [dreg:$0x2];
	[bflag:$0x3] =	sbarrier.arrive $0xFFFF;
	s2 =	simm.s32 @!p0 $0x1C06  }
0xfe: {  	[timem:s3], [sflag:s2] =	dma.local @!p0 [hbm:s0], s1  }
0xff: {  	s0 =	simm.s32 @!p0 $0x6  }
0x100: {  	_ =	swait.ge @!p0 [sflag:s0], s1  }
0x101: {  	s1 =	ssub.s32 @!p0 $0x0, s1;
	[sflag:s0] =	ssyncset.done @!p0 $0x0  }
0x102: {  	[sflag:s0] =	ssyncadd.s32 @!p0 s1  }
0x103: {  	[bflag:$0x3] =	sbarrier.arrive $0xFFFF  }
0x104: {  	_ =	shalt  }

</sc_bundles>
